<compile_context>
chip_gen: v7x
topology: tpu7x:2x2x1
jax: 0.10.2.dev20260603
libtpu: 0.0.44.dev20260713+nightly
codegen_flags: <defaults>
</compile_context>

<pallas_src>
import jax
import jax.numpy as jnp
from jax import lax
from jax.experimental import pallas as pl
from jax.experimental.pallas import tpu as pltpu
from jax.experimental.pallas import tpu_sc as plsc

B, T, D = 16, 2048, 1024


def _laststep_body(payload_hbm, lens_hbm, out_hbm, lens_s, sems):
    cid = lax.axis_index("c")

    @pl.when(cid == 0)
    def _():
        pltpu.sync_copy(lens_hbm, lens_s)
        copies = []
        for b in range(B):
            row = (lens_s[b] - 1) & (T - 1)
            copies.append(
                pltpu.async_copy(
                    payload_hbm.at[b * T + row], out_hbm.at[b], sems.at[b]
                )
            )
        for c in copies:
            c.wait()


def kernel(payload, seq_lens):
    flat = payload.reshape(B * T, D)
    mesh = plsc.ScalarSubcoreMesh(axis_name="c", num_cores=1)
    f = pl.kernel(
        _laststep_body,
        mesh=mesh,
        out_type=jax.ShapeDtypeStruct((B, D), jnp.float32),
        scratch_types=[
            pltpu.SMEM((B,), jnp.int32),
            pltpu.SemaphoreType.DMA((B,)),
        ],
    )
    return f(flat, seq_lens.astype(jnp.int32))

# --- scband reference (transcript-rebuilt; emitter-appended) ---
"""Pipeline reference for scband-last-step-encoder-10557029613708 (READ-ONLY COPY).

The authoritative reference and input builder live on the scoring server;
editing this copy changes nothing except your own understanding.
"""

import jax, jax.numpy as jnp
import numpy as np


def setup_inputs(seed: int = 0) -> dict:
    key = jax.random.key(seed)
    k1, k2 = jax.random.split(key)
    payload = jax.random.normal(k1, (16, 2048, 1024), dtype=jnp.float32)
    seq_lens = jax.random.randint(k2, (16,), 0, 2048)
    return {"payload": payload, "seq_lens": seq_lens}


def reference(payload, seq_lens):
    # LastStepEncoder: h = payload[range(B), seq_lens - 1]
    B = payload.shape[0]
    idx = seq_lens - 1  # negative index (-1 when len==0) wraps, matching torch semantics
    h = payload[jnp.arange(B), idx]
    return h

if __name__ == "__main__":
    import jax
    _d = setup_inputs()
    print(jax.jit(kernel)(*tuple(_d.values())))

</pallas_src>

<mosaic_0001>
#map = affine_map<(d0) -> (0, 0)>
#map1 = affine_map<(d0) -> (0)>
module attributes {stable_mosaic.version = 14 : i64} {
  func.func @_laststep_body(%arg0: i32, %arg1: memref<32768x1024xf32, #tpu.memory_space<hbm>>, %arg2: memref<16xi32, #tpu.memory_space<hbm>>, %arg3: memref<16x1024xf32, #tpu.memory_space<hbm>>, %arg4: memref<16xi32, #tpu.memory_space<smem>>, %arg5: memref<16x!tpu.dma_semaphore, #tpu.memory_space<semaphore_mem>>) attributes {dimension_semantics = [#tpu.dimension_semantics<core_parallel>], iteration_bounds = array<i64: 1>, scalar_prefetch = 0 : i64, scratch_operands = 2 : i64, tpu.core_type = #tpu.core_type<sc_scalar_subcore>, window_params = [{transform_indices = #map}, {transform_indices = #map1}, {transform_indices = #map}]} {
    %eq3A = arith.constant 0 : i32
    %eq3A_0 = arith.cmpi eq, %arg0, %eq3A : i32
    %convert_element_type3A = arith.extui %eq3A_0 : i1 to i32
    %cond3A = arith.constant 0 : i32
    %cond3A_1 = arith.cmpi ne, %convert_element_type3A, %cond3A : i32
    scf.if %cond3A_1 {
      "tpu.region"() ({
        %run_scoped3A = tpu.sem_alloc : memref<!tpu.dma_semaphore, #tpu.memory_space<semaphore_mem>>
        tpu.enqueue_dma source(%arg2 : memref<16xi32, #tpu.memory_space<hbm>>) target(%arg4 : memref<16xi32, #tpu.memory_space<smem>>) target_semaphore(%run_scoped3A : memref<!tpu.dma_semaphore, #tpu.memory_space<semaphore_mem>>)
        tpu.wait_dma2 semaphore(%run_scoped3A : memref<!tpu.dma_semaphore, #tpu.memory_space<semaphore_mem>>) src(%arg2 : memref<16xi32, #tpu.memory_space<hbm>>) dst(%arg4 : memref<16xi32, #tpu.memory_space<smem>>)
        tpu.yield
      }) : () -> ()
      %get3A = arith.constant 0 : i32
      %get3A_2 = arith.index_cast %get3A : i32 to index
      %get3A_3 = memref.load %arg4[%get3A_2] : memref<16xi32, #tpu.memory_space<smem>>
      %sub3A = arith.constant 1 : i32
      %sub3A_4 = arith.subi %get3A_3, %sub3A : i32
      %and3A = arith.constant 2047 : i32
      %and3A_5 = arith.andi %sub3A_4, %and3A : i32
      %add3A = arith.constant 0 : i32
      %add3A_6 = arith.addi %add3A, %and3A_5 : i32
      %dma_start3A = arith.constant 0 : i32
      %dma_start3A_7 = arith.constant 0 : i32
      %dma_start3A_8 = tpu.memref_slice %arg5[%dma_start3A_7] : memref<16x!tpu.dma_semaphore, #tpu.memory_space<semaphore_mem>> -> memref<1x!tpu.dma_semaphore, #tpu.memory_space<semaphore_mem>>
      %dma_start3A_9 = tpu.memref_squeeze %dma_start3A_8 : memref<1x!tpu.dma_semaphore, #tpu.memory_space<semaphore_mem>> -> memref<!tpu.dma_semaphore, #tpu.memory_space<semaphore_mem>>
      %dma_start3A_10 = arith.constant 0 : i32
      %dma_start3A_11 = tpu.memref_slice %arg3[%dma_start3A, %dma_start3A_10] : memref<16x1024xf32, #tpu.memory_space<hbm>> -> memref<1x1024xf32, #tpu.memory_space<hbm>>
      %dma_start3A_12 = tpu.memref_squeeze %dma_start3A_11 : memref<1x1024xf32, #tpu.memory_space<hbm>> -> memref<1024xf32, #tpu.memory_space<hbm>>
      %dma_start3A_13 = arith.constant 0 : i32
      %dma_start3A_14 = tpu.memref_slice %arg1[%add3A_6, %dma_start3A_13] : memref<32768x1024xf32, #tpu.memory_space<hbm>> -> memref<1x1024xf32, #tpu.memory_space<hbm>>
      %dma_start3A_15 = tpu.memref_squeeze %dma_start3A_14 : memref<1x1024xf32, #tpu.memory_space<hbm>> -> memref<1024xf32, #tpu.memory_space<hbm>>
      tpu.enqueue_dma source(%dma_start3A_15 : memref<1024xf32, #tpu.memory_space<hbm>>) target(%dma_start3A_12 : memref<1024xf32, #tpu.memory_space<hbm>>) target_semaphore(%dma_start3A_9 : memref<!tpu.dma_semaphore, #tpu.memory_space<semaphore_mem>>)
      %get3A_16 = arith.constant 1 : i32
      %get3A_17 = arith.index_cast %get3A_16 : i32 to index
      %get3A_18 = memref.load %arg4[%get3A_17] : memref<16xi32, #tpu.memory_space<smem>>
      %sub3A_19 = arith.constant 1 : i32
      %sub3A_20 = arith.subi %get3A_18, %sub3A_19 : i32
      %and3A_21 = arith.constant 2047 : i32
      %and3A_22 = arith.andi %sub3A_20, %and3A_21 : i32
      %add3A_23 = arith.constant 2048 : i32
      %add3A_24 = arith.addi %add3A_23, %and3A_22 : i32
      %dma_start3A_25 = arith.constant 1 : i32
      %dma_start3A_26 = arith.constant 1 : i32
      %dma_start3A_27 = tpu.memref_slice %arg5[%dma_start3A_26] : memref<16x!tpu.dma_semaphore, #tpu.memory_space<semaphore_mem>> -> memref<1x!tpu.dma_semaphore, #tpu.memory_space<semaphore_mem>>
      %dma_start3A_28 = tpu.memref_squeeze %dma_start3A_27 : memref<1x!tpu.dma_semaphore, #tpu.memory_space<semaphore_mem>> -> memref<!tpu.dma_semaphore, #tpu.memory_space<semaphore_mem>>
      %dma_start3A_29 = arith.constant 0 : i32
      %dma_start3A_30 = tpu.memref_slice %arg3[%dma_start3A_25, %dma_start3A_29] : memref<16x1024xf32, #tpu.memory_space<hbm>> -> memref<1x1024xf32, #tpu.memory_space<hbm>>
      %dma_start3A_31 = tpu.memref_squeeze %dma_start3A_30 : memref<1x1024xf32, #tpu.memory_space<hbm>> -> memref<1024xf32, #tpu.memory_space<hbm>>
      %dma_start3A_32 = arith.constant 0 : i32
      %dma_start3A_33 = tpu.memref_slice %arg1[%add3A_24, %dma_start3A_32] : memref<32768x1024xf32, #tpu.memory_space<hbm>> -> memref<1x1024xf32, #tpu.memory_space<hbm>>
      %dma_start3A_34 = tpu.memref_squeeze %dma_start3A_33 : memref<1x1024xf32, #tpu.memory_space<hbm>> -> memref<1024xf32, #tpu.memory_space<hbm>>
      tpu.enqueue_dma source(%dma_start3A_34 : memref<1024xf32, #tpu.memory_space<hbm>>) target(%dma_start3A_31 : memref<1024xf32, #tpu.memory_space<hbm>>) target_semaphore(%dma_start3A_28 : memref<!tpu.dma_semaphore, #tpu.memory_space<semaphore_mem>>)
      %get3A_35 = arith.constant 2 : i32
      %get3A_36 = arith.index_cast %get3A_35 : i32 to index
      %get3A_37 = memref.load %arg4[%get3A_36] : memref<16xi32, #tpu.memory_space<smem>>
      %sub3A_38 = arith.constant 1 : i32
      %sub3A_39 = arith.subi %get3A_37, %sub3A_38 : i32
      %and3A_40 = arith.constant 2047 : i32
      %and3A_41 = arith.andi %sub3A_39, %and3A_40 : i32
      %add3A_42 = arith.constant 4096 : i32
      %add3A_43 = arith.addi %add3A_42, %and3A_41 : i32
      %dma_start3A_44 = arith.constant 2 : i32
      %dma_start3A_45 = arith.constant 2 : i32
      %dma_start3A_46 = tpu.memref_slice %arg5[%dma_start3A_45] : memref<16x!tpu.dma_semaphore, #tpu.memory_space<semaphore_mem>> -> memref<1x!tpu.dma_semaphore, #tpu.memory_space<semaphore_mem>>
      %dma_start3A_47 = tpu.memref_squeeze %dma_start3A_46 : memref<1x!tpu.dma_semaphore, #tpu.memory_space<semaphore_mem>> -> memref<!tpu.dma_semaphore, #tpu.memory_space<semaphore_mem>>
      %dma_start3A_48 = arith.constant 0 : i32
      %dma_start3A_49 = tpu.memref_slice %arg3[%dma_start3A_44, %dma_start3A_48] : memref<16x1024xf32, #tpu.memory_space<hbm>> -> memref<1x1024xf32, #tpu.memory_space<hbm>>
      %dma_start3A_50 = tpu.memref_squeeze %dma_start3A_49 : memref<1x1024xf32, #tpu.memory_space<hbm>> -> memref<1024xf32, #tpu.memory_space<hbm>>
      %dma_start3A_51 = arith.constant 0 : i32
      %dma_start3A_52 = tpu.memref_slice %arg1[%add3A_43, %dma_start3A_51] : memref<32768x1024xf32, #tpu.memory_space<hbm>> -> memref<1x1024xf32, #tpu.memory_space<hbm>>
      %dma_start3A_53 = tpu.memref_squeeze %dma_start3A_52 : memref<1x1024xf32, #tpu.memory_space<hbm>> -> memref<1024xf32, #tpu.memory_space<hbm>>
      tpu.enqueue_dma source(%dma_start3A_53 : memref<1024xf32, #tpu.memory_space<hbm>>) target(%dma_start3A_50 : memref<1024xf32, #tpu.memory_space<hbm>>) target_semaphore(%dma_start3A_47 : memref<!tpu.dma_semaphore, #tpu.memory_space<semaphore_mem>>)
      %get3A_54 = arith.constant 3 : i32
      %get3A_55 = arith.index_cast %get3A_54 : i32 to index
      %get3A_56 = memref.load %arg4[%get3A_55] : memref<16xi32, #tpu.memory_space<smem>>
      %sub3A_57 = arith.constant 1 : i32
      %sub3A_58 = arith.subi %get3A_56, %sub3A_57 : i32
      %and3A_59 = arith.constant 2047 : i32
      %and3A_60 = arith.andi %sub3A_58, %and3A_59 : i32
      %add3A_61 = arith.constant 6144 : i32
      %add3A_62 = arith.addi %add3A_61, %and3A_60 : i32
      %dma_start3A_63 = arith.constant 3 : i32
      %dma_start3A_64 = arith.constant 3 : i32
      %dma_start3A_65 = tpu.memref_slice %arg5[%dma_start3A_64] : memref<16x!tpu.dma_semaphore, #tpu.memory_space<semaphore_mem>> -> memref<1x!tpu.dma_semaphore, #tpu.memory_space<semaphore_mem>>
      %dma_start3A_66 = tpu.memref_squeeze %dma_start3A_65 : memref<1x!tpu.dma_semaphore, #tpu.memory_space<semaphore_mem>> -> memref<!tpu.dma_semaphore, #tpu.memory_space<semaphore_mem>>
      %dma_start3A_67 = arith.constant 0 : i32
      %dma_start3A_68 = tpu.memref_slice %arg3[%dma_start3A_63, %dma_start3A_67] : memref<16x1024xf32, #tpu.memory_space<hbm>> -> memref<1x1024xf32, #tpu.memory_space<hbm>>
      %dma_start3A_69 = tpu.memref_squeeze %dma_start3A_68 : memref<1x1024xf32, #tpu.memory_space<hbm>> -> memref<1024xf32, #tpu.memory_space<hbm>>
      %dma_start3A_70 = arith.constant 0 : i32
      %dma_start3A_71 = tpu.memref_slice %arg1[%add3A_62, %dma_start3A_70] : memref<32768x1024xf32, #tpu.memory_space<hbm>> -> memref<1x1024xf32, #tpu.memory_space<hbm>>
      %dma_start3A_72 = tpu.memref_squeeze %dma_start3A_71 : memref<1x1024xf32, #tpu.memory_space<hbm>> -> memref<1024xf32, #tpu.memory_space<hbm>>
      tpu.enqueue_dma source(%dma_start3A_72 : memref<1024xf32, #tpu.memory_space<hbm>>) target(%dma_start3A_69 : memref<1024xf32, #tpu.memory_space<hbm>>) target_semaphore(%dma_start3A_66 : memref<!tpu.dma_semaphore, #tpu.memory_space<semaphore_mem>>)
      %get3A_73 = arith.constant 4 : i32
      %get3A_74 = arith.index_cast %get3A_73 : i32 to index
      %get3A_75 = memref.load %arg4[%get3A_74] : memref<16xi32, #tpu.memory_space<smem>>
      %sub3A_76 = arith.constant 1 : i32
      %sub3A_77 = arith.subi %get3A_75, %sub3A_76 : i32
      %and3A_78 = arith.constant 2047 : i32
      %and3A_79 = arith.andi %sub3A_77, %and3A_78 : i32
      %add3A_80 = arith.constant 8192 : i32
      %add3A_81 = arith.addi %add3A_80, %and3A_79 : i32
      %dma_start3A_82 = arith.constant 4 : i32
      %dma_start3A_83 = arith.constant 4 : i32
      %dma_start3A_84 = tpu.memref_slice %arg5[%dma_start3A_83] : memref<16x!tpu.dma_semaphore, #tpu.memory_space<semaphore_mem>> -> memref<1x!tpu.dma_semaphore, #tpu.memory_space<semaphore_mem>>
      %dma_start3A_85 = tpu.memref_squeeze %dma_start3A_84 : memref<1x!tpu.dma_semaphore, #tpu.memory_space<semaphore_mem>> -> memref<!tpu.dma_semaphore, #tpu.memory_space<semaphore_mem>>
      %dma_start3A_86 = arith.constant 0 : i32
      %dma_start3A_87 = tpu.memref_slice %arg3[%dma_start3A_82, %dma_start3A_86] : memref<16x1024xf32, #tpu.memory_space<hbm>> -> memref<1x1024xf32, #tpu.memory_space<hbm>>
      %dma_start3A_88 = tpu.memref_squeeze %dma_start3A_87 : memref<1x1024xf32, #tpu.memory_space<hbm>> -> memref<1024xf32, #tpu.memory_space<hbm>>
      %dma_start3A_89 = arith.constant 0 : i32
      %dma_start3A_90 = tpu.memref_slice %arg1[%add3A_81, %dma_start3A_89] : memref<32768x1024xf32, #tpu.memory_space<hbm>> -> memref<1x1024xf32, #tpu.memory_space<hbm>>
      %dma_start3A_91 = tpu.memref_squeeze %dma_start3A_90 : memref<1x1024xf32, #tpu.memory_space<hbm>> -> memref<1024xf32, #tpu.memory_space<hbm>>
      tpu.enqueue_dma source(%dma_start3A_91 : memref<1024xf32, #tpu.memory_space<hbm>>) target(%dma_start3A_88 : memref<1024xf32, #tpu.memory_space<hbm>>) target_semaphore(%dma_start3A_85 : memref<!tpu.dma_semaphore, #tpu.memory_space<semaphore_mem>>)
      %get3A_92 = arith.constant 5 : i32
      %get3A_93 = arith.index_cast %get3A_92 : i32 to index
      %get3A_94 = memref.load %arg4[%get3A_93] : memref<16xi32, #tpu.memory_space<smem>>
      %sub3A_95 = arith.constant 1 : i32
      %sub3A_96 = arith.subi %get3A_94, %sub3A_95 : i32
      %and3A_97 = arith.constant 2047 : i32
      %and3A_98 = arith.andi %sub3A_96, %and3A_97 : i32
      %add3A_99 = arith.constant 10240 : i32
      %add3A_100 = arith.addi %add3A_99, %and3A_98 : i32
      %dma_start3A_101 = arith.constant 5 : i32
      %dma_start3A_102 = arith.constant 5 : i32
      %dma_start3A_103 = tpu.memref_slice %arg5[%dma_start3A_102] : memref<16x!tpu.dma_semaphore, #tpu.memory_space<semaphore_mem>> -> memref<1x!tpu.dma_semaphore, #tpu.memory_space<semaphore_mem>>
      %dma_start3A_104 = tpu.memref_squeeze %dma_start3A_103 : memref<1x!tpu.dma_semaphore, #tpu.memory_space<semaphore_mem>> -> memref<!tpu.dma_semaphore, #tpu.memory_space<semaphore_mem>>
      %dma_start3A_105 = arith.constant 0 : i32
      %dma_start3A_106 = tpu.memref_slice %arg3[%dma_start3A_101, %dma_start3A_105] : memref<16x1024xf32, #tpu.memory_space<hbm>> -> memref<1x1024xf32, #tpu.memory_space<hbm>>
      %dma_start3A_107 = tpu.memref_squeeze %dma_start3A_106 : memref<1x1024xf32, #tpu.memory_space<hbm>> -> memref<1024xf32, #tpu.memory_space<hbm>>
      %dma_start3A_108 = arith.constant 0 : i32
      %dma_start3A_109 = tpu.memref_slice %arg1[%add3A_100, %dma_start3A_108] : memref<32768x1024xf32, #tpu.memory_space<hbm>> -> memref<1x1024xf32, #tpu.memory_space<hbm>>
      %dma_start3A_110 = tpu.memref_squeeze %dma_start3A_109 : memref<1x1024xf32, #tpu.memory_space<hbm>> -> memref<1024xf32, #tpu.memory_space<hbm>>
      tpu.enqueue_dma source(%dma_start3A_110 : memref<1024xf32, #tpu.memory_space<hbm>>) target(%dma_start3A_107 : memref<1024xf32, #tpu.memory_space<hbm>>) target_semaphore(%dma_start3A_104 : memref<!tpu.dma_semaphore, #tpu.memory_space<semaphore_mem>>)
      %get3A_111 = arith.constant 6 : i32
      %get3A_112 = arith.index_cast %get3A_111 : i32 to index
      %get3A_113 = memref.load %arg4[%get3A_112] : memref<16xi32, #tpu.memory_space<smem>>
      %sub3A_114 = arith.constant 1 : i32
      %sub3A_115 = arith.subi %get3A_113, %sub3A_114 : i32
      %and3A_116 = arith.constant 2047 : i32
      %and3A_117 = arith.andi %sub3A_115, %and3A_116 : i32
      %add3A_118 = arith.constant 12288 : i32
      %add3A_119 = arith.addi %add3A_118, %and3A_117 : i32
      %dma_start3A_120 = arith.constant 6 : i32
      %dma_start3A_121 = arith.constant 6 : i32
      %dma_start3A_122 = tpu.memref_slice %arg5[%dma_start3A_121] : memref<16x!tpu.dma_semaphore, #tpu.memory_space<semaphore_mem>> -> memref<1x!tpu.dma_semaphore, #tpu.memory_space<semaphore_mem>>
      %dma_start3A_123 = tpu.memref_squeeze %dma_start3A_122 : memref<1x!tpu.dma_semaphore, #tpu.memory_space<semaphore_mem>> -> memref<!tpu.dma_semaphore, #tpu.memory_space<semaphore_mem>>
      %dma_start3A_124 = arith.constant 0 : i32
      %dma_start3A_125 = tpu.memref_slice %arg3[%dma_start3A_120, %dma_start3A_124] : memref<16x1024xf32, #tpu.memory_space<hbm>> -> memref<1x1024xf32, #tpu.memory_space<hbm>>
      %dma_start3A_126 = tpu.memref_squeeze %dma_start3A_125 : memref<1x1024xf32, #tpu.memory_space<hbm>> -> memref<1024xf32, #tpu.memory_space<hbm>>
      %dma_start3A_127 = arith.constant 0 : i32
      %dma_start3A_128 = tpu.memref_slice %arg1[%add3A_119, %dma_start3A_127] : memref<32768x1024xf32, #tpu.memory_space<hbm>> -> memref<1x1024xf32, #tpu.memory_space<hbm>>
      %dma_start3A_129 = tpu.memref_squeeze %dma_start3A_128 : memref<1x1024xf32, #tpu.memory_space<hbm>> -> memref<1024xf32, #tpu.memory_space<hbm>>
      tpu.enqueue_dma source(%dma_start3A_129 : memref<1024xf32, #tpu.memory_space<hbm>>) target(%dma_start3A_126 : memref<1024xf32, #tpu.memory_space<hbm>>) target_semaphore(%dma_start3A_123 : memref<!tpu.dma_semaphore, #tpu.memory_space<semaphore_mem>>)
      %get3A_130 = arith.constant 7 : i32
      %get3A_131 = arith.index_cast %get3A_130 : i32 to index
      %get3A_132 = memref.load %arg4[%get3A_131] : memref<16xi32, #tpu.memory_space<smem>>
      %sub3A_133 = arith.constant 1 : i32
      %sub3A_134 = arith.subi %get3A_132, %sub3A_133 : i32
      %and3A_135 = arith.constant 2047 : i32
      %and3A_136 = arith.andi %sub3A_134, %and3A_135 : i32
      %add3A_137 = arith.constant 14336 : i32
      %add3A_138 = arith.addi %add3A_137, %and3A_136 : i32
      %dma_start3A_139 = arith.constant 7 : i32
      %dma_start3A_140 = arith.constant 7 : i32
      %dma_start3A_141 = tpu.memref_slice %arg5[%dma_start3A_140] : memref<16x!tpu.dma_semaphore, #tpu.memory_space<semaphore_mem>> -> memref<1x!tpu.dma_semaphore, #tpu.memory_space<semaphore_mem>>
      %dma_start3A_142 = tpu.memref_squeeze %dma_start3A_141 : memref<1x!tpu.dma_semaphore, #tpu.memory_space<semaphore_mem>> -> memref<!tpu.dma_semaphore, #tpu.memory_space<semaphore_mem>>
      %dma_start3A_143 = arith.constant 0 : i32
      %dma_start3A_144 = tpu.memref_slice %arg3[%dma_start3A_139, %dma_start3A_143] : memref<16x1024xf32, #tpu.memory_space<hbm>> -> memref<1x1024xf32, #tpu.memory_space<hbm>>
      %dma_start3A_145 = tpu.memref_squeeze %dma_start3A_144 : memref<1x1024xf32, #tpu.memory_space<hbm>> -> memref<1024xf32, #tpu.memory_space<hbm>>
      %dma_start3A_146 = arith.constant 0 : i32
      %dma_start3A_147 = tpu.memref_slice %arg1[%add3A_138, %dma_start3A_146] : memref<32768x1024xf32, #tpu.memory_space<hbm>> -> memref<1x1024xf32, #tpu.memory_space<hbm>>
      %dma_start3A_148 = tpu.memref_squeeze %dma_start3A_147 : memref<1x1024xf32, #tpu.memory_space<hbm>> -> memref<1024xf32, #tpu.memory_space<hbm>>
      tpu.enqueue_dma source(%dma_start3A_148 : memref<1024xf32, #tpu.memory_space<hbm>>) target(%dma_start3A_145 : memref<1024xf32, #tpu.memory_space<hbm>>) target_semaphore(%dma_start3A_142 : memref<!tpu.dma_semaphore, #tpu.memory_space<semaphore_mem>>)
      %get3A_149 = arith.constant 8 : i32
      %get3A_150 = arith.index_cast %get3A_149 : i32 to index
      %get3A_151 = memref.load %arg4[%get3A_150] : memref<16xi32, #tpu.memory_space<smem>>
      %sub3A_152 = arith.constant 1 : i32
      %sub3A_153 = arith.subi %get3A_151, %sub3A_152 : i32
      %and3A_154 = arith.constant 2047 : i32
      %and3A_155 = arith.andi %sub3A_153, %and3A_154 : i32
      %add3A_156 = arith.constant 16384 : i32
      %add3A_157 = arith.addi %add3A_156, %and3A_155 : i32
      %dma_start3A_158 = arith.constant 8 : i32
      %dma_start3A_159 = arith.constant 8 : i32
      %dma_start3A_160 = tpu.memref_slice %arg5[%dma_start3A_159] : memref<16x!tpu.dma_semaphore, #tpu.memory_space<semaphore_mem>> -> memref<1x!tpu.dma_semaphore, #tpu.memory_space<semaphore_mem>>
      %dma_start3A_161 = tpu.memref_squeeze %dma_start3A_160 : memref<1x!tpu.dma_semaphore, #tpu.memory_space<semaphore_mem>> -> memref<!tpu.dma_semaphore, #tpu.memory_space<semaphore_mem>>
      %dma_start3A_162 = arith.constant 0 : i32
      %dma_start3A_163 = tpu.memref_slice %arg3[%dma_start3A_158, %dma_start3A_162] : memref<16x1024xf32, #tpu.memory_space<hbm>> -> memref<1x1024xf32, #tpu.memory_space<hbm>>
      %dma_start3A_164 = tpu.memref_squeeze %dma_start3A_163 : memref<1x1024xf32, #tpu.memory_space<hbm>> -> memref<1024xf32, #tpu.memory_space<hbm>>
      %dma_start3A_165 = arith.constant 0 : i32
      %dma_start3A_166 = tpu.memref_slice %arg1[%add3A_157, %dma_start3A_165] : memref<32768x1024xf32, #tpu.memory_space<hbm>> -> memref<1x1024xf32, #tpu.memory_space<hbm>>
      %dma_start3A_167 = tpu.memref_squeeze %dma_start3A_166 : memref<1x1024xf32, #tpu.memory_space<hbm>> -> memref<1024xf32, #tpu.memory_space<hbm>>
      tpu.enqueue_dma source(%dma_start3A_167 : memref<1024xf32, #tpu.memory_space<hbm>>) target(%dma_start3A_164 : memref<1024xf32, #tpu.memory_space<hbm>>) target_semaphore(%dma_start3A_161 : memref<!tpu.dma_semaphore, #tpu.memory_space<semaphore_mem>>)
      %get3A_168 = arith.constant 9 : i32
      %get3A_169 = arith.index_cast %get3A_168 : i32 to index
      %get3A_170 = memref.load %arg4[%get3A_169] : memref<16xi32, #tpu.memory_space<smem>>
      %sub3A_171 = arith.constant 1 : i32
      %sub3A_172 = arith.subi %get3A_170, %sub3A_171 : i32
      %and3A_173 = arith.constant 2047 : i32
      %and3A_174 = arith.andi %sub3A_172, %and3A_173 : i32
      %add3A_175 = arith.constant 18432 : i32
      %add3A_176 = arith.addi %add3A_175, %and3A_174 : i32
      %dma_start3A_177 = arith.constant 9 : i32
      %dma_start3A_178 = arith.constant 9 : i32
      %dma_start3A_179 = tpu.memref_slice %arg5[%dma_start3A_178] : memref<16x!tpu.dma_semaphore, #tpu.memory_space<semaphore_mem>> -> memref<1x!tpu.dma_semaphore, #tpu.memory_space<semaphore_mem>>
      %dma_start3A_180 = tpu.memref_squeeze %dma_start3A_179 : memref<1x!tpu.dma_semaphore, #tpu.memory_space<semaphore_mem>> -> memref<!tpu.dma_semaphore, #tpu.memory_space<semaphore_mem>>
      %dma_start3A_181 = arith.constant 0 : i32
      %dma_start3A_182 = tpu.memref_slice %arg3[%dma_start3A_177, %dma_start3A_181] : memref<16x1024xf32, #tpu.memory_space<hbm>> -> memref<1x1024xf32, #tpu.memory_space<hbm>>
      %dma_start3A_183 = tpu.memref_squeeze %dma_start3A_182 : memref<1x1024xf32, #tpu.memory_space<hbm>> -> memref<1024xf32, #tpu.memory_space<hbm>>
      %dma_start3A_184 = arith.constant 0 : i32
      %dma_start3A_185 = tpu.memref_slice %arg1[%add3A_176, %dma_start3A_184] : memref<32768x1024xf32, #tpu.memory_space<hbm>> -> memref<1x1024xf32, #tpu.memory_space<hbm>>
      %dma_start3A_186 = tpu.memref_squeeze %dma_start3A_185 : memref<1x1024xf32, #tpu.memory_space<hbm>> -> memref<1024xf32, #tpu.memory_space<hbm>>
      tpu.enqueue_dma source(%dma_start3A_186 : memref<1024xf32, #tpu.memory_space<hbm>>) target(%dma_start3A_183 : memref<1024xf32, #tpu.memory_space<hbm>>) target_semaphore(%dma_start3A_180 : memref<!tpu.dma_semaphore, #tpu.memory_space<semaphore_mem>>)
      %get3A_187 = arith.constant 10 : i32
      %get3A_188 = arith.index_cast %get3A_187 : i32 to index
      %get3A_189 = memref.load %arg4[%get3A_188] : memref<16xi32, #tpu.memory_space<smem>>
      %sub3A_190 = arith.constant 1 : i32
      %sub3A_191 = arith.subi %get3A_189, %sub3A_190 : i32
      %and3A_192 = arith.constant 2047 : i32
      %and3A_193 = arith.andi %sub3A_191, %and3A_192 : i32
      %add3A_194 = arith.constant 20480 : i32
      %add3A_195 = arith.addi %add3A_194, %and3A_193 : i32
      %dma_start3A_196 = arith.constant 10 : i32
      %dma_start3A_197 = arith.constant 10 : i32
      %dma_start3A_198 = tpu.memref_slice %arg5[%dma_start3A_197] : memref<16x!tpu.dma_semaphore, #tpu.memory_space<semaphore_mem>> -> memref<1x!tpu.dma_semaphore, #tpu.memory_space<semaphore_mem>>
      %dma_start3A_199 = tpu.memref_squeeze %dma_start3A_198 : memref<1x!tpu.dma_semaphore, #tpu.memory_space<semaphore_mem>> -> memref<!tpu.dma_semaphore, #tpu.memory_space<semaphore_mem>>
      %dma_start3A_200 = arith.constant 0 : i32
      %dma_start3A_201 = tpu.memref_slice %arg3[%dma_start3A_196, %dma_start3A_200] : memref<16x1024xf32, #tpu.memory_space<hbm>> -> memref<1x1024xf32, #tpu.memory_space<hbm>>
      %dma_start3A_202 = tpu.memref_squeeze %dma_start3A_201 : memref<1x1024xf32, #tpu.memory_space<hbm>> -> memref<1024xf32, #tpu.memory_space<hbm>>
      %dma_start3A_203 = arith.constant 0 : i32
      %dma_start3A_204 = tpu.memref_slice %arg1[%add3A_195, %dma_start3A_203] : memref<32768x1024xf32, #tpu.memory_space<hbm>> -> memref<1x1024xf32, #tpu.memory_space<hbm>>
      %dma_start3A_205 = tpu.memref_squeeze %dma_start3A_204 : memref<1x1024xf32, #tpu.memory_space<hbm>> -> memref<1024xf32, #tpu.memory_space<hbm>>
      tpu.enqueue_dma source(%dma_start3A_205 : memref<1024xf32, #tpu.memory_space<hbm>>) target(%dma_start3A_202 : memref<1024xf32, #tpu.memory_space<hbm>>) target_semaphore(%dma_start3A_199 : memref<!tpu.dma_semaphore, #tpu.memory_space<semaphore_mem>>)
      %get3A_206 = arith.constant 11 : i32
      %get3A_207 = arith.index_cast %get3A_206 : i32 to index
      %get3A_208 = memref.load %arg4[%get3A_207] : memref<16xi32, #tpu.memory_space<smem>>
      %sub3A_209 = arith.constant 1 : i32
      %sub3A_210 = arith.subi %get3A_208, %sub3A_209 : i32
      %and3A_211 = arith.constant 2047 : i32
      %and3A_212 = arith.andi %sub3A_210, %and3A_211 : i32
      %add3A_213 = arith.constant 22528 : i32
      %add3A_214 = arith.addi %add3A_213, %and3A_212 : i32
      %dma_start3A_215 = arith.constant 11 : i32
      %dma_start3A_216 = arith.constant 11 : i32
      %dma_start3A_217 = tpu.memref_slice %arg5[%dma_start3A_216] : memref<16x!tpu.dma_semaphore, #tpu.memory_space<semaphore_mem>> -> memref<1x!tpu.dma_semaphore, #tpu.memory_space<semaphore_mem>>
      %dma_start3A_218 = tpu.memref_squeeze %dma_start3A_217 : memref<1x!tpu.dma_semaphore, #tpu.memory_space<semaphore_mem>> -> memref<!tpu.dma_semaphore, #tpu.memory_space<semaphore_mem>>
      %dma_start3A_219 = arith.constant 0 : i32
      %dma_start3A_220 = tpu.memref_slice %arg3[%dma_start3A_215, %dma_start3A_219] : memref<16x1024xf32, #tpu.memory_space<hbm>> -> memref<1x1024xf32, #tpu.memory_space<hbm>>
      %dma_start3A_221 = tpu.memref_squeeze %dma_start3A_220 : memref<1x1024xf32, #tpu.memory_space<hbm>> -> memref<1024xf32, #tpu.memory_space<hbm>>
      %dma_start3A_222 = arith.constant 0 : i32
      %dma_start3A_223 = tpu.memref_slice %arg1[%add3A_214, %dma_start3A_222] : memref<32768x1024xf32, #tpu.memory_space<hbm>> -> memref<1x1024xf32, #tpu.memory_space<hbm>>
      %dma_start3A_224 = tpu.memref_squeeze %dma_start3A_223 : memref<1x1024xf32, #tpu.memory_space<hbm>> -> memref<1024xf32, #tpu.memory_space<hbm>>
      tpu.enqueue_dma source(%dma_start3A_224 : memref<1024xf32, #tpu.memory_space<hbm>>) target(%dma_start3A_221 : memref<1024xf32, #tpu.memory_space<hbm>>) target_semaphore(%dma_start3A_218 : memref<!tpu.dma_semaphore, #tpu.memory_space<semaphore_mem>>)
      %get3A_225 = arith.constant 12 : i32
      %get3A_226 = arith.index_cast %get3A_225 : i32 to index
      %get3A_227 = memref.load %arg4[%get3A_226] : memref<16xi32, #tpu.memory_space<smem>>
      %sub3A_228 = arith.constant 1 : i32
      %sub3A_229 = arith.subi %get3A_227, %sub3A_228 : i32
      %and3A_230 = arith.constant 2047 : i32
      %and3A_231 = arith.andi %sub3A_229, %and3A_230 : i32
      %add3A_232 = arith.constant 24576 : i32
      %add3A_233 = arith.addi %add3A_232, %and3A_231 : i32
      %dma_start3A_234 = arith.constant 12 : i32
      %dma_start3A_235 = arith.constant 12 : i32
      %dma_start3A_236 = tpu.memref_slice %arg5[%dma_start3A_235] : memref<16x!tpu.dma_semaphore, #tpu.memory_space<semaphore_mem>> -> memref<1x!tpu.dma_semaphore, #tpu.memory_space<semaphore_mem>>
      %dma_start3A_237 = tpu.memref_squeeze %dma_start3A_236 : memref<1x!tpu.dma_semaphore, #tpu.memory_space<semaphore_mem>> -> memref<!tpu.dma_semaphore, #tpu.memory_space<semaphore_mem>>
      %dma_start3A_238 = arith.constant 0 : i32
      %dma_start3A_239 = tpu.memref_slice %arg3[%dma_start3A_234, %dma_start3A_238] : memref<16x1024xf32, #tpu.memory_space<hbm>> -> memref<1x1024xf32, #tpu.memory_space<hbm>>
      %dma_start3A_240 = tpu.memref_squeeze %dma_start3A_239 : memref<1x1024xf32, #tpu.memory_space<hbm>> -> memref<1024xf32, #tpu.memory_space<hbm>>
      %dma_start3A_241 = arith.constant 0 : i32
      %dma_start3A_242 = tpu.memref_slice %arg1[%add3A_233, %dma_start3A_241] : memref<32768x1024xf32, #tpu.memory_space<hbm>> -> memref<1x1024xf32, #tpu.memory_space<hbm>>
      %dma_start3A_243 = tpu.memref_squeeze %dma_start3A_242 : memref<1x1024xf32, #tpu.memory_space<hbm>> -> memref<1024xf32, #tpu.memory_space<hbm>>
      tpu.enqueue_dma source(%dma_start3A_243 : memref<1024xf32, #tpu.memory_space<hbm>>) target(%dma_start3A_240 : memref<1024xf32, #tpu.memory_space<hbm>>) target_semaphore(%dma_start3A_237 : memref<!tpu.dma_semaphore, #tpu.memory_space<semaphore_mem>>)
      %get3A_244 = arith.constant 13 : i32
      %get3A_245 = arith.index_cast %get3A_244 : i32 to index
      %get3A_246 = memref.load %arg4[%get3A_245] : memref<16xi32, #tpu.memory_space<smem>>
      %sub3A_247 = arith.constant 1 : i32
      %sub3A_248 = arith.subi %get3A_246, %sub3A_247 : i32
      %and3A_249 = arith.constant 2047 : i32
      %and3A_250 = arith.andi %sub3A_248, %and3A_249 : i32
      %add3A_251 = arith.constant 26624 : i32
      %add3A_252 = arith.addi %add3A_251, %and3A_250 : i32
      %dma_start3A_253 = arith.constant 13 : i32
      %dma_start3A_254 = arith.constant 13 : i32
      %dma_start3A_255 = tpu.memref_slice %arg5[%dma_start3A_254] : memref<16x!tpu.dma_semaphore, #tpu.memory_space<semaphore_mem>> -> memref<1x!tpu.dma_semaphore, #tpu.memory_space<semaphore_mem>>
      %dma_start3A_256 = tpu.memref_squeeze %dma_start3A_255 : memref<1x!tpu.dma_semaphore, #tpu.memory_space<semaphore_mem>> -> memref<!tpu.dma_semaphore, #tpu.memory_space<semaphore_mem>>
      %dma_start3A_257 = arith.constant 0 : i32
      %dma_start3A_258 = tpu.memref_slice %arg3[%dma_start3A_253, %dma_start3A_257] : memref<16x1024xf32, #tpu.memory_space<hbm>> -> memref<1x1024xf32, #tpu.memory_space<hbm>>
      %dma_start3A_259 = tpu.memref_squeeze %dma_start3A_258 : memref<1x1024xf32, #tpu.memory_space<hbm>> -> memref<1024xf32, #tpu.memory_space<hbm>>
      %dma_start3A_260 = arith.constant 0 : i32
      %dma_start3A_261 = tpu.memref_slice %arg1[%add3A_252, %dma_start3A_260] : memref<32768x1024xf32, #tpu.memory_space<hbm>> -> memref<1x1024xf32, #tpu.memory_space<hbm>>
      %dma_start3A_262 = tpu.memref_squeeze %dma_start3A_261 : memref<1x1024xf32, #tpu.memory_space<hbm>> -> memref<1024xf32, #tpu.memory_space<hbm>>
      tpu.enqueue_dma source(%dma_start3A_262 : memref<1024xf32, #tpu.memory_space<hbm>>) target(%dma_start3A_259 : memref<1024xf32, #tpu.memory_space<hbm>>) target_semaphore(%dma_start3A_256 : memref<!tpu.dma_semaphore, #tpu.memory_space<semaphore_mem>>)
      %get3A_263 = arith.constant 14 : i32
      %get3A_264 = arith.index_cast %get3A_263 : i32 to index
      %get3A_265 = memref.load %arg4[%get3A_264] : memref<16xi32, #tpu.memory_space<smem>>
      %sub3A_266 = arith.constant 1 : i32
      %sub3A_267 = arith.subi %get3A_265, %sub3A_266 : i32
      %and3A_268 = arith.constant 2047 : i32
      %and3A_269 = arith.andi %sub3A_267, %and3A_268 : i32
      %add3A_270 = arith.constant 28672 : i32
      %add3A_271 = arith.addi %add3A_270, %and3A_269 : i32
      %dma_start3A_272 = arith.constant 14 : i32
      %dma_start3A_273 = arith.constant 14 : i32
      %dma_start3A_274 = tpu.memref_slice %arg5[%dma_start3A_273] : memref<16x!tpu.dma_semaphore, #tpu.memory_space<semaphore_mem>> -> memref<1x!tpu.dma_semaphore, #tpu.memory_space<semaphore_mem>>
      %dma_start3A_275 = tpu.memref_squeeze %dma_start3A_274 : memref<1x!tpu.dma_semaphore, #tpu.memory_space<semaphore_mem>> -> memref<!tpu.dma_semaphore, #tpu.memory_space<semaphore_mem>>
      %dma_start3A_276 = arith.constant 0 : i32
      %dma_start3A_277 = tpu.memref_slice %arg3[%dma_start3A_272, %dma_start3A_276] : memref<16x1024xf32, #tpu.memory_space<hbm>> -> memref<1x1024xf32, #tpu.memory_space<hbm>>
      %dma_start3A_278 = tpu.memref_squeeze %dma_start3A_277 : memref<1x1024xf32, #tpu.memory_space<hbm>> -> memref<1024xf32, #tpu.memory_space<hbm>>
      %dma_start3A_279 = arith.constant 0 : i32
      %dma_start3A_280 = tpu.memref_slice %arg1[%add3A_271, %dma_start3A_279] : memref<32768x1024xf32, #tpu.memory_space<hbm>> -> memref<1x1024xf32, #tpu.memory_space<hbm>>
      %dma_start3A_281 = tpu.memref_squeeze %dma_start3A_280 : memref<1x1024xf32, #tpu.memory_space<hbm>> -> memref<1024xf32, #tpu.memory_space<hbm>>
      tpu.enqueue_dma source(%dma_start3A_281 : memref<1024xf32, #tpu.memory_space<hbm>>) target(%dma_start3A_278 : memref<1024xf32, #tpu.memory_space<hbm>>) target_semaphore(%dma_start3A_275 : memref<!tpu.dma_semaphore, #tpu.memory_space<semaphore_mem>>)
      %get3A_282 = arith.constant 15 : i32
      %get3A_283 = arith.index_cast %get3A_282 : i32 to index
      %get3A_284 = memref.load %arg4[%get3A_283] : memref<16xi32, #tpu.memory_space<smem>>
      %sub3A_285 = arith.constant 1 : i32
      %sub3A_286 = arith.subi %get3A_284, %sub3A_285 : i32
      %and3A_287 = arith.constant 2047 : i32
      %and3A_288 = arith.andi %sub3A_286, %and3A_287 : i32
      %add3A_289 = arith.constant 30720 : i32
      %add3A_290 = arith.addi %add3A_289, %and3A_288 : i32
      %dma_start3A_291 = arith.constant 15 : i32
      %dma_start3A_292 = arith.constant 15 : i32
      %dma_start3A_293 = tpu.memref_slice %arg5[%dma_start3A_292] : memref<16x!tpu.dma_semaphore, #tpu.memory_space<semaphore_mem>> -> memref<1x!tpu.dma_semaphore, #tpu.memory_space<semaphore_mem>>
      %dma_start3A_294 = tpu.memref_squeeze %dma_start3A_293 : memref<1x!tpu.dma_semaphore, #tpu.memory_space<semaphore_mem>> -> memref<!tpu.dma_semaphore, #tpu.memory_space<semaphore_mem>>
      %dma_start3A_295 = arith.constant 0 : i32
      %dma_start3A_296 = tpu.memref_slice %arg3[%dma_start3A_291, %dma_start3A_295] : memref<16x1024xf32, #tpu.memory_space<hbm>> -> memref<1x1024xf32, #tpu.memory_space<hbm>>
      %dma_start3A_297 = tpu.memref_squeeze %dma_start3A_296 : memref<1x1024xf32, #tpu.memory_space<hbm>> -> memref<1024xf32, #tpu.memory_space<hbm>>
      %dma_start3A_298 = arith.constant 0 : i32
      %dma_start3A_299 = tpu.memref_slice %arg1[%add3A_290, %dma_start3A_298] : memref<32768x1024xf32, #tpu.memory_space<hbm>> -> memref<1x1024xf32, #tpu.memory_space<hbm>>
      %dma_start3A_300 = tpu.memref_squeeze %dma_start3A_299 : memref<1x1024xf32, #tpu.memory_space<hbm>> -> memref<1024xf32, #tpu.memory_space<hbm>>
      tpu.enqueue_dma source(%dma_start3A_300 : memref<1024xf32, #tpu.memory_space<hbm>>) target(%dma_start3A_297 : memref<1024xf32, #tpu.memory_space<hbm>>) target_semaphore(%dma_start3A_294 : memref<!tpu.dma_semaphore, #tpu.memory_space<semaphore_mem>>)
      %dma_wait3A = arith.constant 0 : i32
      %dma_wait3A_301 = arith.constant 0 : i32
      %dma_wait3A_302 = tpu.memref_slice %arg5[%dma_wait3A_301] : memref<16x!tpu.dma_semaphore, #tpu.memory_space<semaphore_mem>> -> memref<1x!tpu.dma_semaphore, #tpu.memory_space<semaphore_mem>>
      %dma_wait3A_303 = tpu.memref_squeeze %dma_wait3A_302 : memref<1x!tpu.dma_semaphore, #tpu.memory_space<semaphore_mem>> -> memref<!tpu.dma_semaphore, #tpu.memory_space<semaphore_mem>>
      %dma_wait3A_304 = arith.constant 0 : i32
      %dma_wait3A_305 = tpu.memref_slice %arg3[%dma_wait3A, %dma_wait3A_304] : memref<16x1024xf32, #tpu.memory_space<hbm>> -> memref<1x1024xf32, #tpu.memory_space<hbm>>
      %dma_wait3A_306 = tpu.memref_squeeze %dma_wait3A_305 : memref<1x1024xf32, #tpu.memory_space<hbm>> -> memref<1024xf32, #tpu.memory_space<hbm>>
      %dma_wait3A_307 = arith.constant 0 : i32
      %dma_wait3A_308 = tpu.memref_slice %arg1[%add3A_6, %dma_wait3A_307] : memref<32768x1024xf32, #tpu.memory_space<hbm>> -> memref<1x1024xf32, #tpu.memory_space<hbm>>
      %dma_wait3A_309 = tpu.memref_squeeze %dma_wait3A_308 : memref<1x1024xf32, #tpu.memory_space<hbm>> -> memref<1024xf32, #tpu.memory_space<hbm>>
      tpu.wait_dma2 semaphore(%dma_wait3A_303 : memref<!tpu.dma_semaphore, #tpu.memory_space<semaphore_mem>>) src(%dma_wait3A_309 : memref<1024xf32, #tpu.memory_space<hbm>>) dst(%dma_wait3A_306 : memref<1024xf32, #tpu.memory_space<hbm>>)
      %dma_wait3A_310 = arith.constant 1 : i32
      %dma_wait3A_311 = arith.constant 1 : i32
      %dma_wait3A_312 = tpu.memref_slice %arg5[%dma_wait3A_311] : memref<16x!tpu.dma_semaphore, #tpu.memory_space<semaphore_mem>> -> memref<1x!tpu.dma_semaphore, #tpu.memory_space<semaphore_mem>>
      %dma_wait3A_313 = tpu.memref_squeeze %dma_wait3A_312 : memref<1x!tpu.dma_semaphore, #tpu.memory_space<semaphore_mem>> -> memref<!tpu.dma_semaphore, #tpu.memory_space<semaphore_mem>>
      %dma_wait3A_314 = arith.constant 0 : i32
      %dma_wait3A_315 = tpu.memref_slice %arg3[%dma_wait3A_310, %dma_wait3A_314] : memref<16x1024xf32, #tpu.memory_space<hbm>> -> memref<1x1024xf32, #tpu.memory_space<hbm>>
      %dma_wait3A_316 = tpu.memref_squeeze %dma_wait3A_315 : memref<1x1024xf32, #tpu.memory_space<hbm>> -> memref<1024xf32, #tpu.memory_space<hbm>>
      %dma_wait3A_317 = arith.constant 0 : i32
      %dma_wait3A_318 = tpu.memref_slice %arg1[%add3A_24, %dma_wait3A_317] : memref<32768x1024xf32, #tpu.memory_space<hbm>> -> memref<1x1024xf32, #tpu.memory_space<hbm>>
      %dma_wait3A_319 = tpu.memref_squeeze %dma_wait3A_318 : memref<1x1024xf32, #tpu.memory_space<hbm>> -> memref<1024xf32, #tpu.memory_space<hbm>>
      tpu.wait_dma2 semaphore(%dma_wait3A_313 : memref<!tpu.dma_semaphore, #tpu.memory_space<semaphore_mem>>) src(%dma_wait3A_319 : memref<1024xf32, #tpu.memory_space<hbm>>) dst(%dma_wait3A_316 : memref<1024xf32, #tpu.memory_space<hbm>>)
      %dma_wait3A_320 = arith.constant 2 : i32
      %dma_wait3A_321 = arith.constant 2 : i32
      %dma_wait3A_322 = tpu.memref_slice %arg5[%dma_wait3A_321] : memref<16x!tpu.dma_semaphore, #tpu.memory_space<semaphore_mem>> -> memref<1x!tpu.dma_semaphore, #tpu.memory_space<semaphore_mem>>
      %dma_wait3A_323 = tpu.memref_squeeze %dma_wait3A_322 : memref<1x!tpu.dma_semaphore, #tpu.memory_space<semaphore_mem>> -> memref<!tpu.dma_semaphore, #tpu.memory_space<semaphore_mem>>
      %dma_wait3A_324 = arith.constant 0 : i32
      %dma_wait3A_325 = tpu.memref_slice %arg3[%dma_wait3A_320, %dma_wait3A_324] : memref<16x1024xf32, #tpu.memory_space<hbm>> -> memref<1x1024xf32, #tpu.memory_space<hbm>>
      %dma_wait3A_326 = tpu.memref_squeeze %dma_wait3A_325 : memref<1x1024xf32, #tpu.memory_space<hbm>> -> memref<1024xf32, #tpu.memory_space<hbm>>
      %dma_wait3A_327 = arith.constant 0 : i32
      %dma_wait3A_328 = tpu.memref_slice %arg1[%add3A_43, %dma_wait3A_327] : memref<32768x1024xf32, #tpu.memory_space<hbm>> -> memref<1x1024xf32, #tpu.memory_space<hbm>>
      %dma_wait3A_329 = tpu.memref_squeeze %dma_wait3A_328 : memref<1x1024xf32, #tpu.memory_space<hbm>> -> memref<1024xf32, #tpu.memory_space<hbm>>
      tpu.wait_dma2 semaphore(%dma_wait3A_323 : memref<!tpu.dma_semaphore, #tpu.memory_space<semaphore_mem>>) src(%dma_wait3A_329 : memref<1024xf32, #tpu.memory_space<hbm>>) dst(%dma_wait3A_326 : memref<1024xf32, #tpu.memory_space<hbm>>)
      %dma_wait3A_330 = arith.constant 3 : i32
      %dma_wait3A_331 = arith.constant 3 : i32
      %dma_wait3A_332 = tpu.memref_slice %arg5[%dma_wait3A_331] : memref<16x!tpu.dma_semaphore, #tpu.memory_space<semaphore_mem>> -> memref<1x!tpu.dma_semaphore, #tpu.memory_space<semaphore_mem>>
      %dma_wait3A_333 = tpu.memref_squeeze %dma_wait3A_332 : memref<1x!tpu.dma_semaphore, #tpu.memory_space<semaphore_mem>> -> memref<!tpu.dma_semaphore, #tpu.memory_space<semaphore_mem>>
      %dma_wait3A_334 = arith.constant 0 : i32
      %dma_wait3A_335 = tpu.memref_slice %arg3[%dma_wait3A_330, %dma_wait3A_334] : memref<16x1024xf32, #tpu.memory_space<hbm>> -> memref<1x1024xf32, #tpu.memory_space<hbm>>
      %dma_wait3A_336 = tpu.memref_squeeze %dma_wait3A_335 : memref<1x1024xf32, #tpu.memory_space<hbm>> -> memref<1024xf32, #tpu.memory_space<hbm>>
      %dma_wait3A_337 = arith.constant 0 : i32
      %dma_wait3A_338 = tpu.memref_slice %arg1[%add3A_62, %dma_wait3A_337] : memref<32768x1024xf32, #tpu.memory_space<hbm>> -> memref<1x1024xf32, #tpu.memory_space<hbm>>
      %dma_wait3A_339 = tpu.memref_squeeze %dma_wait3A_338 : memref<1x1024xf32, #tpu.memory_space<hbm>> -> memref<1024xf32, #tpu.memory_space<hbm>>
      tpu.wait_dma2 semaphore(%dma_wait3A_333 : memref<!tpu.dma_semaphore, #tpu.memory_space<semaphore_mem>>) src(%dma_wait3A_339 : memref<1024xf32, #tpu.memory_space<hbm>>) dst(%dma_wait3A_336 : memref<1024xf32, #tpu.memory_space<hbm>>)
      %dma_wait3A_340 = arith.constant 4 : i32
      %dma_wait3A_341 = arith.constant 4 : i32
      %dma_wait3A_342 = tpu.memref_slice %arg5[%dma_wait3A_341] : memref<16x!tpu.dma_semaphore, #tpu.memory_space<semaphore_mem>> -> memref<1x!tpu.dma_semaphore, #tpu.memory_space<semaphore_mem>>
      %dma_wait3A_343 = tpu.memref_squeeze %dma_wait3A_342 : memref<1x!tpu.dma_semaphore, #tpu.memory_space<semaphore_mem>> -> memref<!tpu.dma_semaphore, #tpu.memory_space<semaphore_mem>>
      %dma_wait3A_344 = arith.constant 0 : i32
      %dma_wait3A_345 = tpu.memref_slice %arg3[%dma_wait3A_340, %dma_wait3A_344] : memref<16x1024xf32, #tpu.memory_space<hbm>> -> memref<1x1024xf32, #tpu.memory_space<hbm>>
      %dma_wait3A_346 = tpu.memref_squeeze %dma_wait3A_345 : memref<1x1024xf32, #tpu.memory_space<hbm>> -> memref<1024xf32, #tpu.memory_space<hbm>>
      %dma_wait3A_347 = arith.constant 0 : i32
      %dma_wait3A_348 = tpu.memref_slice %arg1[%add3A_81, %dma_wait3A_347] : memref<32768x1024xf32, #tpu.memory_space<hbm>> -> memref<1x1024xf32, #tpu.memory_space<hbm>>
      %dma_wait3A_349 = tpu.memref_squeeze %dma_wait3A_348 : memref<1x1024xf32, #tpu.memory_space<hbm>> -> memref<1024xf32, #tpu.memory_space<hbm>>
      tpu.wait_dma2 semaphore(%dma_wait3A_343 : memref<!tpu.dma_semaphore, #tpu.memory_space<semaphore_mem>>) src(%dma_wait3A_349 : memref<1024xf32, #tpu.memory_space<hbm>>) dst(%dma_wait3A_346 : memref<1024xf32, #tpu.memory_space<hbm>>)
      %dma_wait3A_350 = arith.constant 5 : i32
      %dma_wait3A_351 = arith.constant 5 : i32
      %dma_wait3A_352 = tpu.memref_slice %arg5[%dma_wait3A_351] : memref<16x!tpu.dma_semaphore, #tpu.memory_space<semaphore_mem>> -> memref<1x!tpu.dma_semaphore, #tpu.memory_space<semaphore_mem>>
      %dma_wait3A_353 = tpu.memref_squeeze %dma_wait3A_352 : memref<1x!tpu.dma_semaphore, #tpu.memory_space<semaphore_mem>> -> memref<!tpu.dma_semaphore, #tpu.memory_space<semaphore_mem>>
      %dma_wait3A_354 = arith.constant 0 : i32
      %dma_wait3A_355 = tpu.memref_slice %arg3[%dma_wait3A_350, %dma_wait3A_354] : memref<16x1024xf32, #tpu.memory_space<hbm>> -> memref<1x1024xf32, #tpu.memory_space<hbm>>
      %dma_wait3A_356 = tpu.memref_squeeze %dma_wait3A_355 : memref<1x1024xf32, #tpu.memory_space<hbm>> -> memref<1024xf32, #tpu.memory_space<hbm>>
      %dma_wait3A_357 = arith.constant 0 : i32
      %dma_wait3A_358 = tpu.memref_slice %arg1[%add3A_100, %dma_wait3A_357] : memref<32768x1024xf32, #tpu.memory_space<hbm>> -> memref<1x1024xf32, #tpu.memory_space<hbm>>
      %dma_wait3A_359 = tpu.memref_squeeze %dma_wait3A_358 : memref<1x1024xf32, #tpu.memory_space<hbm>> -> memref<1024xf32, #tpu.memory_space<hbm>>
      tpu.wait_dma2 semaphore(%dma_wait3A_353 : memref<!tpu.dma_semaphore, #tpu.memory_space<semaphore_mem>>) src(%dma_wait3A_359 : memref<1024xf32, #tpu.memory_space<hbm>>) dst(%dma_wait3A_356 : memref<1024xf32, #tpu.memory_space<hbm>>)
      %dma_wait3A_360 = arith.constant 6 : i32
      %dma_wait3A_361 = arith.constant 6 : i32
      %dma_wait3A_362 = tpu.memref_slice %arg5[%dma_wait3A_361] : memref<16x!tpu.dma_semaphore, #tpu.memory_space<semaphore_mem>> -> memref<1x!tpu.dma_semaphore, #tpu.memory_space<semaphore_mem>>
      %dma_wait3A_363 = tpu.memref_squeeze %dma_wait3A_362 : memref<1x!tpu.dma_semaphore, #tpu.memory_space<semaphore_mem>> -> memref<!tpu.dma_semaphore, #tpu.memory_space<semaphore_mem>>
      %dma_wait3A_364 = arith.constant 0 : i32
      %dma_wait3A_365 = tpu.memref_slice %arg3[%dma_wait3A_360, %dma_wait3A_364] : memref<16x1024xf32, #tpu.memory_space<hbm>> -> memref<1x1024xf32, #tpu.memory_space<hbm>>
      %dma_wait3A_366 = tpu.memref_squeeze %dma_wait3A_365 : memref<1x1024xf32, #tpu.memory_space<hbm>> -> memref<1024xf32, #tpu.memory_space<hbm>>
      %dma_wait3A_367 = arith.constant 0 : i32
      %dma_wait3A_368 = tpu.memref_slice %arg1[%add3A_119, %dma_wait3A_367] : memref<32768x1024xf32, #tpu.memory_space<hbm>> -> memref<1x1024xf32, #tpu.memory_space<hbm>>
      %dma_wait3A_369 = tpu.memref_squeeze %dma_wait3A_368 : memref<1x1024xf32, #tpu.memory_space<hbm>> -> memref<1024xf32, #tpu.memory_space<hbm>>
      tpu.wait_dma2 semaphore(%dma_wait3A_363 : memref<!tpu.dma_semaphore, #tpu.memory_space<semaphore_mem>>) src(%dma_wait3A_369 : memref<1024xf32, #tpu.memory_space<hbm>>) dst(%dma_wait3A_366 : memref<1024xf32, #tpu.memory_space<hbm>>)
      %dma_wait3A_370 = arith.constant 7 : i32
      %dma_wait3A_371 = arith.constant 7 : i32
      %dma_wait3A_372 = tpu.memref_slice %arg5[%dma_wait3A_371] : memref<16x!tpu.dma_semaphore, #tpu.memory_space<semaphore_mem>> -> memref<1x!tpu.dma_semaphore, #tpu.memory_space<semaphore_mem>>
      %dma_wait3A_373 = tpu.memref_squeeze %dma_wait3A_372 : memref<1x!tpu.dma_semaphore, #tpu.memory_space<semaphore_mem>> -> memref<!tpu.dma_semaphore, #tpu.memory_space<semaphore_mem>>
      %dma_wait3A_374 = arith.constant 0 : i32
      %dma_wait3A_375 = tpu.memref_slice %arg3[%dma_wait3A_370, %dma_wait3A_374] : memref<16x1024xf32, #tpu.memory_space<hbm>> -> memref<1x1024xf32, #tpu.memory_space<hbm>>
      %dma_wait3A_376 = tpu.memref_squeeze %dma_wait3A_375 : memref<1x1024xf32, #tpu.memory_space<hbm>> -> memref<1024xf32, #tpu.memory_space<hbm>>
      %dma_wait3A_377 = arith.constant 0 : i32
      %dma_wait3A_378 = tpu.memref_slice %arg1[%add3A_138, %dma_wait3A_377] : memref<32768x1024xf32, #tpu.memory_space<hbm>> -> memref<1x1024xf32, #tpu.memory_space<hbm>>
      %dma_wait3A_379 = tpu.memref_squeeze %dma_wait3A_378 : memref<1x1024xf32, #tpu.memory_space<hbm>> -> memref<1024xf32, #tpu.memory_space<hbm>>
      tpu.wait_dma2 semaphore(%dma_wait3A_373 : memref<!tpu.dma_semaphore, #tpu.memory_space<semaphore_mem>>) src(%dma_wait3A_379 : memref<1024xf32, #tpu.memory_space<hbm>>) dst(%dma_wait3A_376 : memref<1024xf32, #tpu.memory_space<hbm>>)
      %dma_wait3A_380 = arith.constant 8 : i32
      %dma_wait3A_381 = arith.constant 8 : i32
      %dma_wait3A_382 = tpu.memref_slice %arg5[%dma_wait3A_381] : memref<16x!tpu.dma_semaphore, #tpu.memory_space<semaphore_mem>> -> memref<1x!tpu.dma_semaphore, #tpu.memory_space<semaphore_mem>>
      %dma_wait3A_383 = tpu.memref_squeeze %dma_wait3A_382 : memref<1x!tpu.dma_semaphore, #tpu.memory_space<semaphore_mem>> -> memref<!tpu.dma_semaphore, #tpu.memory_space<semaphore_mem>>
      %dma_wait3A_384 = arith.constant 0 : i32
      %dma_wait3A_385 = tpu.memref_slice %arg3[%dma_wait3A_380, %dma_wait3A_384] : memref<16x1024xf32, #tpu.memory_space<hbm>> -> memref<1x1024xf32, #tpu.memory_space<hbm>>
      %dma_wait3A_386 = tpu.memref_squeeze %dma_wait3A_385 : memref<1x1024xf32, #tpu.memory_space<hbm>> -> memref<1024xf32, #tpu.memory_space<hbm>>
      %dma_wait3A_387 = arith.constant 0 : i32
      %dma_wait3A_388 = tpu.memref_slice %arg1[%add3A_157, %dma_wait3A_387] : memref<32768x1024xf32, #tpu.memory_space<hbm>> -> memref<1x1024xf32, #tpu.memory_space<hbm>>
      %dma_wait3A_389 = tpu.memref_squeeze %dma_wait3A_388 : memref<1x1024xf32, #tpu.memory_space<hbm>> -> memref<1024xf32, #tpu.memory_space<hbm>>
      tpu.wait_dma2 semaphore(%dma_wait3A_383 : memref<!tpu.dma_semaphore, #tpu.memory_space<semaphore_mem>>) src(%dma_wait3A_389 : memref<1024xf32, #tpu.memory_space<hbm>>) dst(%dma_wait3A_386 : memref<1024xf32, #tpu.memory_space<hbm>>)
      %dma_wait3A_390 = arith.constant 9 : i32
      %dma_wait3A_391 = arith.constant 9 : i32
      %dma_wait3A_392 = tpu.memref_slice %arg5[%dma_wait3A_391] : memref<16x!tpu.dma_semaphore, #tpu.memory_space<semaphore_mem>> -> memref<1x!tpu.dma_semaphore, #tpu.memory_space<semaphore_mem>>
      %dma_wait3A_393 = tpu.memref_squeeze %dma_wait3A_392 : memref<1x!tpu.dma_semaphore, #tpu.memory_space<semaphore_mem>> -> memref<!tpu.dma_semaphore, #tpu.memory_space<semaphore_mem>>
      %dma_wait3A_394 = arith.constant 0 : i32
      %dma_wait3A_395 = tpu.memref_slice %arg3[%dma_wait3A_390, %dma_wait3A_394] : memref<16x1024xf32, #tpu.memory_space<hbm>> -> memref<1x1024xf32, #tpu.memory_space<hbm>>
      %dma_wait3A_396 = tpu.memref_squeeze %dma_wait3A_395 : memref<1x1024xf32, #tpu.memory_space<hbm>> -> memref<1024xf32, #tpu.memory_space<hbm>>
      %dma_wait3A_397 = arith.constant 0 : i32
      %dma_wait3A_398 = tpu.memref_slice %arg1[%add3A_176, %dma_wait3A_397] : memref<32768x1024xf32, #tpu.memory_space<hbm>> -> memref<1x1024xf32, #tpu.memory_space<hbm>>
      %dma_wait3A_399 = tpu.memref_squeeze %dma_wait3A_398 : memref<1x1024xf32, #tpu.memory_space<hbm>> -> memref<1024xf32, #tpu.memory_space<hbm>>
      tpu.wait_dma2 semaphore(%dma_wait3A_393 : memref<!tpu.dma_semaphore, #tpu.memory_space<semaphore_mem>>) src(%dma_wait3A_399 : memref<1024xf32, #tpu.memory_space<hbm>>) dst(%dma_wait3A_396 : memref<1024xf32, #tpu.memory_space<hbm>>)
      %dma_wait3A_400 = arith.constant 10 : i32
      %dma_wait3A_401 = arith.constant 10 : i32
      %dma_wait3A_402 = tpu.memref_slice %arg5[%dma_wait3A_401] : memref<16x!tpu.dma_semaphore, #tpu.memory_space<semaphore_mem>> -> memref<1x!tpu.dma_semaphore, #tpu.memory_space<semaphore_mem>>
      %dma_wait3A_403 = tpu.memref_squeeze %dma_wait3A_402 : memref<1x!tpu.dma_semaphore, #tpu.memory_space<semaphore_mem>> -> memref<!tpu.dma_semaphore, #tpu.memory_space<semaphore_mem>>
      %dma_wait3A_404 = arith.constant 0 : i32
      %dma_wait3A_405 = tpu.memref_slice %arg3[%dma_wait3A_400, %dma_wait3A_404] : memref<16x1024xf32, #tpu.memory_space<hbm>> -> memref<1x1024xf32, #tpu.memory_space<hbm>>
      %dma_wait3A_406 = tpu.memref_squeeze %dma_wait3A_405 : memref<1x1024xf32, #tpu.memory_space<hbm>> -> memref<1024xf32, #tpu.memory_space<hbm>>
      %dma_wait3A_407 = arith.constant 0 : i32
      %dma_wait3A_408 = tpu.memref_slice %arg1[%add3A_195, %dma_wait3A_407] : memref<32768x1024xf32, #tpu.memory_space<hbm>> -> memref<1x1024xf32, #tpu.memory_space<hbm>>
      %dma_wait3A_409 = tpu.memref_squeeze %dma_wait3A_408 : memref<1x1024xf32, #tpu.memory_space<hbm>> -> memref<1024xf32, #tpu.memory_space<hbm>>
      tpu.wait_dma2 semaphore(%dma_wait3A_403 : memref<!tpu.dma_semaphore, #tpu.memory_space<semaphore_mem>>) src(%dma_wait3A_409 : memref<1024xf32, #tpu.memory_space<hbm>>) dst(%dma_wait3A_406 : memref<1024xf32, #tpu.memory_space<hbm>>)
      %dma_wait3A_410 = arith.constant 11 : i32
      %dma_wait3A_411 = arith.constant 11 : i32
      %dma_wait3A_412 = tpu.memref_slice %arg5[%dma_wait3A_411] : memref<16x!tpu.dma_semaphore, #tpu.memory_space<semaphore_mem>> -> memref<1x!tpu.dma_semaphore, #tpu.memory_space<semaphore_mem>>
      %dma_wait3A_413 = tpu.memref_squeeze %dma_wait3A_412 : memref<1x!tpu.dma_semaphore, #tpu.memory_space<semaphore_mem>> -> memref<!tpu.dma_semaphore, #tpu.memory_space<semaphore_mem>>
      %dma_wait3A_414 = arith.constant 0 : i32
      %dma_wait3A_415 = tpu.memref_slice %arg3[%dma_wait3A_410, %dma_wait3A_414] : memref<16x1024xf32, #tpu.memory_space<hbm>> -> memref<1x1024xf32, #tpu.memory_space<hbm>>
      %dma_wait3A_416 = tpu.memref_squeeze %dma_wait3A_415 : memref<1x1024xf32, #tpu.memory_space<hbm>> -> memref<1024xf32, #tpu.memory_space<hbm>>
      %dma_wait3A_417 = arith.constant 0 : i32
      %dma_wait3A_418 = tpu.memref_slice %arg1[%add3A_214, %dma_wait3A_417] : memref<32768x1024xf32, #tpu.memory_space<hbm>> -> memref<1x1024xf32, #tpu.memory_space<hbm>>
      %dma_wait3A_419 = tpu.memref_squeeze %dma_wait3A_418 : memref<1x1024xf32, #tpu.memory_space<hbm>> -> memref<1024xf32, #tpu.memory_space<hbm>>
      tpu.wait_dma2 semaphore(%dma_wait3A_413 : memref<!tpu.dma_semaphore, #tpu.memory_space<semaphore_mem>>) src(%dma_wait3A_419 : memref<1024xf32, #tpu.memory_space<hbm>>) dst(%dma_wait3A_416 : memref<1024xf32, #tpu.memory_space<hbm>>)
      %dma_wait3A_420 = arith.constant 12 : i32
      %dma_wait3A_421 = arith.constant 12 : i32
      %dma_wait3A_422 = tpu.memref_slice %arg5[%dma_wait3A_421] : memref<16x!tpu.dma_semaphore, #tpu.memory_space<semaphore_mem>> -> memref<1x!tpu.dma_semaphore, #tpu.memory_space<semaphore_mem>>
      %dma_wait3A_423 = tpu.memref_squeeze %dma_wait3A_422 : memref<1x!tpu.dma_semaphore, #tpu.memory_space<semaphore_mem>> -> memref<!tpu.dma_semaphore, #tpu.memory_space<semaphore_mem>>
      %dma_wait3A_424 = arith.constant 0 : i32
      %dma_wait3A_425 = tpu.memref_slice %arg3[%dma_wait3A_420, %dma_wait3A_424] : memref<16x1024xf32, #tpu.memory_space<hbm>> -> memref<1x1024xf32, #tpu.memory_space<hbm>>
      %dma_wait3A_426 = tpu.memref_squeeze %dma_wait3A_425 : memref<1x1024xf32, #tpu.memory_space<hbm>> -> memref<1024xf32, #tpu.memory_space<hbm>>
      %dma_wait3A_427 = arith.constant 0 : i32
      %dma_wait3A_428 = tpu.memref_slice %arg1[%add3A_233, %dma_wait3A_427] : memref<32768x1024xf32, #tpu.memory_space<hbm>> -> memref<1x1024xf32, #tpu.memory_space<hbm>>
      %dma_wait3A_429 = tpu.memref_squeeze %dma_wait3A_428 : memref<1x1024xf32, #tpu.memory_space<hbm>> -> memref<1024xf32, #tpu.memory_space<hbm>>
      tpu.wait_dma2 semaphore(%dma_wait3A_423 : memref<!tpu.dma_semaphore, #tpu.memory_space<semaphore_mem>>) src(%dma_wait3A_429 : memref<1024xf32, #tpu.memory_space<hbm>>) dst(%dma_wait3A_426 : memref<1024xf32, #tpu.memory_space<hbm>>)
      %dma_wait3A_430 = arith.constant 13 : i32
      %dma_wait3A_431 = arith.constant 13 : i32
      %dma_wait3A_432 = tpu.memref_slice %arg5[%dma_wait3A_431] : memref<16x!tpu.dma_semaphore, #tpu.memory_space<semaphore_mem>> -> memref<1x!tpu.dma_semaphore, #tpu.memory_space<semaphore_mem>>
      %dma_wait3A_433 = tpu.memref_squeeze %dma_wait3A_432 : memref<1x!tpu.dma_semaphore, #tpu.memory_space<semaphore_mem>> -> memref<!tpu.dma_semaphore, #tpu.memory_space<semaphore_mem>>
      %dma_wait3A_434 = arith.constant 0 : i32
      %dma_wait3A_435 = tpu.memref_slice %arg3[%dma_wait3A_430, %dma_wait3A_434] : memref<16x1024xf32, #tpu.memory_space<hbm>> -> memref<1x1024xf32, #tpu.memory_space<hbm>>
      %dma_wait3A_436 = tpu.memref_squeeze %dma_wait3A_435 : memref<1x1024xf32, #tpu.memory_space<hbm>> -> memref<1024xf32, #tpu.memory_space<hbm>>
      %dma_wait3A_437 = arith.constant 0 : i32
      %dma_wait3A_438 = tpu.memref_slice %arg1[%add3A_252, %dma_wait3A_437] : memref<32768x1024xf32, #tpu.memory_space<hbm>> -> memref<1x1024xf32, #tpu.memory_space<hbm>>
      %dma_wait3A_439 = tpu.memref_squeeze %dma_wait3A_438 : memref<1x1024xf32, #tpu.memory_space<hbm>> -> memref<1024xf32, #tpu.memory_space<hbm>>
      tpu.wait_dma2 semaphore(%dma_wait3A_433 : memref<!tpu.dma_semaphore, #tpu.memory_space<semaphore_mem>>) src(%dma_wait3A_439 : memref<1024xf32, #tpu.memory_space<hbm>>) dst(%dma_wait3A_436 : memref<1024xf32, #tpu.memory_space<hbm>>)
      %dma_wait3A_440 = arith.constant 14 : i32
      %dma_wait3A_441 = arith.constant 14 : i32
      %dma_wait3A_442 = tpu.memref_slice %arg5[%dma_wait3A_441] : memref<16x!tpu.dma_semaphore, #tpu.memory_space<semaphore_mem>> -> memref<1x!tpu.dma_semaphore, #tpu.memory_space<semaphore_mem>>
      %dma_wait3A_443 = tpu.memref_squeeze %dma_wait3A_442 : memref<1x!tpu.dma_semaphore, #tpu.memory_space<semaphore_mem>> -> memref<!tpu.dma_semaphore, #tpu.memory_space<semaphore_mem>>
      %dma_wait3A_444 = arith.constant 0 : i32
      %dma_wait3A_445 = tpu.memref_slice %arg3[%dma_wait3A_440, %dma_wait3A_444] : memref<16x1024xf32, #tpu.memory_space<hbm>> -> memref<1x1024xf32, #tpu.memory_space<hbm>>
      %dma_wait3A_446 = tpu.memref_squeeze %dma_wait3A_445 : memref<1x1024xf32, #tpu.memory_space<hbm>> -> memref<1024xf32, #tpu.memory_space<hbm>>
      %dma_wait3A_447 = arith.constant 0 : i32
      %dma_wait3A_448 = tpu.memref_slice %arg1[%add3A_271, %dma_wait3A_447] : memref<32768x1024xf32, #tpu.memory_space<hbm>> -> memref<1x1024xf32, #tpu.memory_space<hbm>>
      %dma_wait3A_449 = tpu.memref_squeeze %dma_wait3A_448 : memref<1x1024xf32, #tpu.memory_space<hbm>> -> memref<1024xf32, #tpu.memory_space<hbm>>
      tpu.wait_dma2 semaphore(%dma_wait3A_443 : memref<!tpu.dma_semaphore, #tpu.memory_space<semaphore_mem>>) src(%dma_wait3A_449 : memref<1024xf32, #tpu.memory_space<hbm>>) dst(%dma_wait3A_446 : memref<1024xf32, #tpu.memory_space<hbm>>)
      %dma_wait3A_450 = arith.constant 15 : i32
      %dma_wait3A_451 = arith.constant 15 : i32
      %dma_wait3A_452 = tpu.memref_slice %arg5[%dma_wait3A_451] : memref<16x!tpu.dma_semaphore, #tpu.memory_space<semaphore_mem>> -> memref<1x!tpu.dma_semaphore, #tpu.memory_space<semaphore_mem>>
      %dma_wait3A_453 = tpu.memref_squeeze %dma_wait3A_452 : memref<1x!tpu.dma_semaphore, #tpu.memory_space<semaphore_mem>> -> memref<!tpu.dma_semaphore, #tpu.memory_space<semaphore_mem>>
      %dma_wait3A_454 = arith.constant 0 : i32
      %dma_wait3A_455 = tpu.memref_slice %arg3[%dma_wait3A_450, %dma_wait3A_454] : memref<16x1024xf32, #tpu.memory_space<hbm>> -> memref<1x1024xf32, #tpu.memory_space<hbm>>
      %dma_wait3A_456 = tpu.memref_squeeze %dma_wait3A_455 : memref<1x1024xf32, #tpu.memory_space<hbm>> -> memref<1024xf32, #tpu.memory_space<hbm>>
      %dma_wait3A_457 = arith.constant 0 : i32
      %dma_wait3A_458 = tpu.memref_slice %arg1[%add3A_290, %dma_wait3A_457] : memref<32768x1024xf32, #tpu.memory_space<hbm>> -> memref<1x1024xf32, #tpu.memory_space<hbm>>
      %dma_wait3A_459 = tpu.memref_squeeze %dma_wait3A_458 : memref<1x1024xf32, #tpu.memory_space<hbm>> -> memref<1024xf32, #tpu.memory_space<hbm>>
      tpu.wait_dma2 semaphore(%dma_wait3A_453 : memref<!tpu.dma_semaphore, #tpu.memory_space<semaphore_mem>>) src(%dma_wait3A_459 : memref<1024xf32, #tpu.memory_space<hbm>>) dst(%dma_wait3A_456 : memref<1024xf32, #tpu.memory_space<hbm>>)
    } else {
    }
    return
  }
}

</mosaic_0001>

<sc_bundles>
// kernel: kernel.3.cloned.1.call-start
scs
__scs_entry_jumppad:
0x0: {  	(pc) =	sbr.rel $0x88, $3  }
0x1: {  	(tag) =	ssettag $0x0;
	lr =	simm.s32 $0x1  }
0x2: {  	[smem:$0x3F9F] =	sst lr;
	_ =	strace $0xD0000000  }
0x3: {  	_ = 	snop  }
0x4: {  	_ = 	snop  }
0x5: {  	_ = 	snop  }
0x6: {  	_ = 	snop  }
0x7: {  	_ = 	snop  }
__scs_overlays_trampoline_lowered:
0x8: {  	[smem:$0x3FAE] =	sst s0  }
0x9: {  	[smem:$0x3FAF] =	sst s1  }
0xa: {  	[smem:$0x3FB0] =	sst s2  }
0xb: {  	[smem:$0x3FB1] =	sst s3  }
0xc: {  	[smem:$0x3FB2] =	sst s4  }
0xd: {  	[smem:$0x3FB3] =	sst s5  }
0xe: {  	[smem:$0x3FB4] =	sst s6  }
0xf: {  	[smem:$0x3FB5] =	sst s7  }
0x10: {  	[smem:$0x3FB6] =	sst s8  }
0x11: {  	[smem:$0x3FB7] =	sst s9;
	s0 =	simm.s32 @!p0 $0x0  }
0x12: {  	s1 =	sld [smem:$0x3F9D];
	s0 =	simm.s32 @p0 $0x1  }
0x13: {  	[smem:$0x3FB8] =	sst s0;
	s0 =	simm.s32 @!p1 $0x0  }
0x14: {  	s2 =	sld [smem:$0x3F9C];
	s0 =	simm.s32 @p1 $0x1  }
0x15: {  	[smem:$0x3FB9] =	sst s0;
	s0 =	simm.s32 @!p2 $0x0  }
0x16: {  	s3 =	sld [smem:$0x3FDB];
	s0 =	simm.s32 @p2 $0x1  }
0x17: {  	s4 =	simm.s32 $0x1BF5;
	[smem:$0x3FBB] =	sst s0  }
0x18: {  	s0 =	sld [smem:$0x3F9E];
	_ =	swait.ge [sflag:s4], $0x0  }
0x19: {  	s7 =	sld [smem:$0x3F9F]  }
0x1a: {  	s8 =	sadd.s32 $0xFFFFE003, lr  }
0x1b: {  	s9 =	sadd.s32 $0xFFFFFEF7, lr;
	s5 =	simm.s32 $0xFFFFFFFF;
	p2 =	slt.u32 s8, $0xFFFFF086  }
0x1c: {  	p1 =	slt.u32 s9, $0xF7A;
	s5 =	simm.s32 @!p2 $0x0  }
0x1d: {  	s5 =	simm.s32 @p1 $0x1;
	p0 =	seq.s32 s7, s2  }
0x1e: {  	s7 =	smul.u32 @!p0 $0xF7A, s2;
	p2 =	seq.s32 @!p0 s5, $0x0  }
0x1f: {  	s9 =	smul.u32 $0xF7A, s1;
	s8 =	simm.s32 @!p0 $0x1BF5;
	p2 =	por !p2, p0  }
0x20: {  	[sflag:s8] =	ssyncset.s32 @!p0 $0xFFFFF086;
	s6 =	sadd.s32 @!p0 s3, s7;
	s7 =	simm.s32 @!p0 $0x108  }
0x21: {  	s3 =	sadd.s32 s3, s9;
	s6 =	sadd.s32 @!p0 $0x88, s6;
	s7 =	simm.s32 @p2 $0x1082  }
0x22: {  	[simem:s7], [sflag:s8] =	dma.local @!p0 [hbm:s6], $0xF7A  }
0x23: {  	s9 =	sor.u32 $0xD0000000, s2;
	s6 =	simm.s32 $0x108;
	_ =	swait.ge @!p0 [sflag:s8], $0x0  }
0x24: {  	s3 =	sadd.s32 $0x88, s3;
	s6 =	simm.s32 @!p1 $0x1082;
	[sflag:s4] =	ssyncset.s32 $0xFFFFF086  }
0x25: {  	[simem:s6], [sflag:s4] =	dma.local [hbm:s3], $0xF7A  }
0x26: {  	[smem:$0x3F9F] =	sst s1;
	(tag) =	ssettag s2;
	_ =	strace s9  }
0x27: {  	s1 =	sld [smem:$0x3FAF]  }
0x28: {  	s2 =	sld [smem:$0x3FB0]  }
0x29: {  	s4 =	sld [smem:$0x3FB2]  }
0x2a: {  	p0 =	seq.s32 s5, $0x0;
	s5 =	sld [smem:$0x3FB3]  }
0x2b: {  	s6 =	sld [smem:$0x3FB4]  }
0x2c: {  	s7 =	sld [smem:$0x3FB5]  }
0x2d: {  	s3 =	simm.s32 $0x108;
	s8 =	sld [smem:$0x3FB6]  }
0x2e: {  	s3 =	simm.s32 @!p0 $0x1082;
	s9 =	sld [smem:$0x3FB7]  }
0x2f: {  	lr =	sadd.s32 s0, s3;
	s0 =	sld [smem:$0x3FAE]  }
0x30: {  	s3 =	sld [smem:$0x3FB1]  }
0x31: {  	[smem:$0x3FBA] =	sst s10  }
0x32: {  	s10 =	sld [smem:$0x3FB8];
	_ =	sdelay $0x3  }
0x33: {  	p0 =	seq.s32 s10, $0x1;
	s10 =	sld [smem:$0x3FBA];
	_ =	sdelay $0x3  }
0x34: {  	[smem:$0x3FBA] =	sst s10  }
0x35: {  	s10 =	sld [smem:$0x3FB9];
	_ =	sdelay $0x3  }
0x36: {  	p1 =	seq.s32 s10, $0x1;
	s10 =	sld [smem:$0x3FBA];
	_ =	sdelay $0x3  }
0x37: {  	[smem:$0x3FBA] =	sst s10  }
0x38: {  	s10 =	sld [smem:$0x3FBB]  }
0x39: {  	_ = 	snop;
	(pc) =	sbr.ind lr, $3  }
0x3a: {  	_ = 	snop  }
0x3b: {  	_ = 	snop  }
0x3c: {  	p2 =	seq.s32 s10, $0x1;
	s10 =	sld [smem:$0x3FBA]  }
0x3d: {  	_ =	shalt  }
0x3e: {  	_ =	shalt  }
0x3f: {  	_ =	shalt  }
0x40: {  	_ =	shalt  }
0x41: {  	_ =	shalt  }
0x42: {  	_ =	shalt  }
0x43: {  	_ =	shalt  }
0x44: {  	_ =	shalt  }
0x45: {  	_ =	shalt  }
0x46: {  	_ =	shalt  }
0x47: {  	_ =	shalt  }
0x48: {  	_ =	shalt  }
0x49: {  	_ =	shalt  }
0x4a: {  	_ =	shalt  }
0x4b: {  	_ =	shalt  }
0x4c: {  	_ =	shalt  }
0x4d: {  	_ =	shalt  }
0x4e: {  	_ =	shalt  }
0x4f: {  	_ =	shalt  }
0x50: {  	_ =	shalt  }
0x51: {  	_ =	shalt  }
0x52: {  	_ =	shalt  }
0x53: {  	_ =	shalt  }
0x54: {  	_ =	shalt  }
0x55: {  	_ =	shalt  }
0x56: {  	_ =	shalt  }
0x57: {  	_ =	shalt  }
0x58: {  	_ =	shalt  }
0x59: {  	_ =	shalt  }
0x5a: {  	_ =	shalt  }
0x5b: {  	_ =	shalt  }
0x5c: {  	_ =	shalt  }
0x5d: {  	_ =	shalt  }
0x5e: {  	_ =	shalt  }
0x5f: {  	_ =	shalt  }
0x60: {  	_ =	shalt  }
0x61: {  	_ =	shalt  }
0x62: {  	_ =	shalt  }
0x63: {  	_ =	shalt  }
0x64: {  	_ =	shalt  }
0x65: {  	_ =	shalt  }
0x66: {  	_ =	shalt  }
0x67: {  	_ =	shalt  }
0x68: {  	_ =	shalt  }
0x69: {  	_ =	shalt  }
0x6a: {  	_ =	shalt  }
0x6b: {  	_ =	shalt  }
0x6c: {  	_ =	shalt  }
0x6d: {  	_ =	shalt  }
0x6e: {  	_ =	shalt  }
0x6f: {  	_ =	shalt  }
0x70: {  	_ =	shalt  }
0x71: {  	_ =	shalt  }
0x72: {  	_ =	shalt  }
0x73: {  	_ =	shalt  }
0x74: {  	_ =	shalt  }
0x75: {  	_ =	shalt  }
0x76: {  	_ =	shalt  }
0x77: {  	_ =	shalt  }
0x78: {  	_ =	shalt  }
0x79: {  	_ =	shalt  }
0x7a: {  	_ =	shalt  }
0x7b: {  	_ =	shalt  }
0x7c: {  	_ =	shalt  }
0x7d: {  	_ =	shalt  }
0x7e: {  	_ =	shalt  }
0x7f: {  	_ =	shalt  }
0x80: {  	_ =	shalt  }
0x81: {  	_ =	shalt  }
0x82: {  	_ =	shalt  }
0x83: {  	_ =	shalt  }
0x84: {  	_ =	shalt  }
0x85: {  	_ =	shalt  }
0x86: {  	_ =	shalt  }
0x87: {  	_ =	shalt  }
.Lfunc_end0:
.L_simem_size_0:
called_computation_lowered:
.L_overlay_start_0:
0x88: {  	s0 =	sld [smem:$0x3FD9]  }
0x89: {  	s1 =	sld [smem:$0x3FFE];
	_ =	sdelay $0x3  }
0x8a: {  	s0 =	sadd.s32 s1, s0  }
0x8b: {  	s20 =	simm.s32 $0x0;
	[smem:$0x3FC6] =	sst s0  }
0x8c: {  	[smem:$0xF] =	sst s20  }
0x8d: {  	s1 =	sld [smem:$0x3FC9]  }
0x8e: {  	s3 =	sld [smem:$0x3FC8]  }
0x8f: {  	s2 =	sld [smem:$0x3FD0];
	(tm) =	ssettm $0x1  }
0x90: {  	s21 =	sld [smem:$0x3FFB];
	_ =	sdelay $0x3  }
0x91: {  	_ =	strace s21  }
0x92: {  	s0 =	sld [smem:$0x3FFC];
	_ =	sdelay $0x3  }
0x93: {  	_ =	strace s0  }
0x94: {  	s0 =	sld [smem:$0x3FFD];
	_ =	sdelay $0x3  }
0x95: {  	_ =	strace s0  }
0x96: {  	s22 =	simm.s32 $0x1B8B;
	_ =	strace $0x8FFFFFFF  }
0x97: {  	_ =	swait.ge [sflag:s22], $0x1  }
0x98: {  	[sflag:s22] =	ssyncset.done $0x0  }
0x99: {  	s23 =	simm.s32 $0x1B8E;
	[sflag:s22] =	ssyncadd.s32 $0xFFFFFFFF  }
0x9a: {  	[smem:$0x3FD2] =	sst s23  }
0x9b: {  	s4 =	simm.s32 $0x19;
	s0 =	simm.s32 $0x10;
	_ =	strace $0x80000046  }
0x9c: {  	[smem:s0], [sflag:s4] =	dma.local [hbm:s3], $0x10  }
0x9d: {  	_ =	swait.ge [sflag:s4], $0x10  }
0x9e: {  	[sflag:s4] =	ssyncset.done $0x0  }
0x9f: {  	[sflag:s4] =	ssyncadd.s32 $0xFFFFFFF0  }
0xa0: {  	s24 =	sld [smem:$0x10];
	_ =	sdelay $0x3  }
0xa1: {  	s3 =	sadd.s32 $0x7FF, s24  }
0xa2: {  	s25 =	sshll.u32 s3, $0xA;
	s3 =	sshll.u32 s3, $0x7  }
0xa3: {  	s4 =	sand.u32 $0x1FE000, s25;
	s3 =	sand.u32 $0x380, s3  }
0xa4: {  	s3 =	sor.u32 s3, s4  }
0xa5: {  	s5 =	simm.s32 $0x80;
	s3 =	sshrl.u32 s3, $0x3  }
0xa6: {  	s4 =	simm.s32 $0x1;
	s6 =	sadd.s32 s1, s3;
	s3 =	simm.s32 $0x9  }
0xa7: {  	[hbm:s2@s5], [sflag:s3] =	dma.strided [hbm:s6@s5], $0x80, s4, $0x10   }
0xa8: {  	s6 =	sld [smem:$0x11];
	_ =	sdelay $0x3  }
0xa9: {  	s6 =	sadd.s32 $0x7FF, s6  }
0xaa: {  	s7 =	sshll.u32 s6, $0xA;
	s6 =	sshll.u32 s6, $0x7  }
0xab: {  	s7 =	sand.u32 $0x1FE000, s7;
	s6 =	sand.u32 $0x380, s6  }
0xac: {  	s6 =	sor.u32 s6, s7  }
0xad: {  	s6 =	sshrl.u32 s6, $0x3  }
0xae: {  	s6 =	sadd.s32 s6, s1  }
0xaf: {  	s26 =	sadd.s32 $0x10, s2;
	s8 =	sadd.s32 $0x40000, s6;
	s6 =	simm.s32 $0xA  }
0xb0: {  	[hbm:s26@s5], [sflag:s6] =	dma.strided [hbm:s8@s5], $0x80, s4, $0x10   }
0xb1: {  	s7 =	sld [smem:$0x12];
	_ =	sdelay $0x3  }
0xb2: {  	s7 =	sadd.s32 $0x7FF, s7  }
0xb3: {  	s28 =	sshll.u32 s7, $0xA;
	s7 =	sshll.u32 s7, $0x7  }
0xb4: {  	s8 =	sand.u32 $0x1FE000, s28;
	s7 =	sand.u32 $0x380, s7  }
0xb5: {  	s7 =	sor.u32 s7, s8  }
0xb6: {  	s7 =	sshrl.u32 s7, $0x3  }
0xb7: {  	s7 =	sadd.s32 s7, s1  }
0xb8: {  	s29 =	sadd.s32 $0x20, s2;
	s9 =	sadd.s32 $0x80000, s7;
	s7 =	simm.s32 $0xB  }
0xb9: {  	[hbm:s29@s5], [sflag:s7] =	dma.strided [hbm:s9@s5], $0x80, s4, $0x10   }
0xba: {  	s8 =	sld [smem:$0x13];
	_ =	sdelay $0x3  }
0xbb: {  	s8 =	sadd.s32 $0x7FF, s8  }
0xbc: {  	s30 =	sshll.u32 s8, $0xA;
	s8 =	sshll.u32 s8, $0x7  }
0xbd: {  	s9 =	sand.u32 $0x1FE000, s30;
	s8 =	sand.u32 $0x380, s8  }
0xbe: {  	s8 =	sor.u32 s8, s9  }
0xbf: {  	s8 =	sshrl.u32 s8, $0x3  }
0xc0: {  	s8 =	sadd.s32 s8, s1  }
0xc1: {  	s31 =	sadd.s32 $0x30, s2;
	s10 =	sadd.s32 $0xC0000, s8;
	s8 =	simm.s32 $0xC  }
0xc2: {  	[hbm:s31@s5], [sflag:s8] =	dma.strided [hbm:s10@s5], $0x80, s4, $0x10   }
0xc3: {  	s9 =	sld [smem:$0x14];
	_ =	sdelay $0x3  }
0xc4: {  	s9 =	sadd.s32 $0x7FF, s9  }
0xc5: {  	s11 =	sshll.u32 s9, $0xA;
	s9 =	sshll.u32 s9, $0x7  }
0xc6: {  	s10 =	sand.u32 $0x1FE000, s11;
	s9 =	sand.u32 $0x380, s9  }
0xc7: {  	s9 =	sor.u32 s9, s10  }
0xc8: {  	s9 =	sshrl.u32 s9, $0x3  }
0xc9: {  	s9 =	sadd.s32 s9, s1  }
0xca: {  	s12 =	sadd.s32 $0x40, s2;
	s11 =	sadd.s32 $0x100000, s9;
	s9 =	simm.s32 $0xD  }
0xcb: {  	[hbm:s12@s5], [sflag:s9] =	dma.strided [hbm:s11@s5], $0x80, s4, $0x10   }
0xcc: {  	s10 =	sld [smem:$0x15];
	_ =	sdelay $0x3  }
0xcd: {  	s10 =	sadd.s32 $0x7FF, s10  }
0xce: {  	s13 =	sshll.u32 s10, $0xA;
	s10 =	sshll.u32 s10, $0x7  }
0xcf: {  	s11 =	sand.u32 $0x1FE000, s13;
	s10 =	sand.u32 $0x380, s10  }
0xd0: {  	s10 =	sor.u32 s10, s11  }
0xd1: {  	s10 =	sshrl.u32 s10, $0x3  }
0xd2: {  	s10 =	sadd.s32 s10, s1  }
0xd3: {  	s14 =	sadd.s32 $0x50, s2;
	s12 =	sadd.s32 $0x140000, s10;
	s10 =	simm.s32 $0xE  }
0xd4: {  	[hbm:s14@s5], [sflag:s10] =	dma.strided [hbm:s12@s5], $0x80, s4, $0x10   }
0xd5: {  	s11 =	sld [smem:$0x16];
	_ =	sdelay $0x3  }
0xd6: {  	s11 =	sadd.s32 $0x7FF, s11  }
0xd7: {  	s15 =	sshll.u32 s11, $0xA;
	s11 =	sshll.u32 s11, $0x7  }
0xd8: {  	s12 =	sand.u32 $0x1FE000, s15;
	s11 =	sand.u32 $0x380, s11  }
0xd9: {  	s11 =	sor.u32 s11, s12  }
0xda: {  	s11 =	sshrl.u32 s11, $0x3  }
0xdb: {  	s11 =	sadd.s32 s11, s1  }
0xdc: {  	s16 =	sadd.s32 $0x60, s2;
	s13 =	sadd.s32 $0x180000, s11;
	s11 =	simm.s32 $0xF  }
0xdd: {  	[hbm:s16@s5], [sflag:s11] =	dma.strided [hbm:s13@s5], $0x80, s4, $0x10   }
0xde: {  	s12 =	sld [smem:$0x17];
	_ =	sdelay $0x3  }
0xdf: {  	s12 =	sadd.s32 $0x7FF, s12  }
0xe0: {  	s17 =	sshll.u32 s12, $0xA;
	s12 =	sshll.u32 s12, $0x7  }
0xe1: {  	s13 =	sand.u32 $0x1FE000, s17;
	s12 =	sand.u32 $0x380, s12  }
0xe2: {  	s12 =	sor.u32 s12, s13  }
0xe3: {  	s12 =	sshrl.u32 s12, $0x3  }
0xe4: {  	s12 =	sadd.s32 s12, s1  }
0xe5: {  	s18 =	sadd.s32 $0x70, s2;
	s12 =	sadd.s32 $0x1C0000, s12  }
0xe6: {  	[hbm:s18@s5], [sflag:s0] =	dma.strided [hbm:s12@s5], $0x80, s4, $0x10   }
0xe7: {  	s12 =	sld [smem:$0x18];
	_ =	sdelay $0x3  }
0xe8: {  	s12 =	sadd.s32 $0x7FF, s12  }
0xe9: {  	s19 =	sshll.u32 s12, $0xA;
	s12 =	sshll.u32 s12, $0x7  }
0xea: {  	s13 =	sand.u32 $0x1FE000, s19;
	s12 =	sand.u32 $0x380, s12  }
0xeb: {  	s12 =	sor.u32 s12, s13  }
0xec: {  	s12 =	sshrl.u32 s12, $0x3  }
0xed: {  	s12 =	sadd.s32 s12, s1  }
0xee: {  	s20 =	sadd.s32 $0x400, s2;
	s14 =	sadd.s32 $0x200000, s12;
	s12 =	simm.s32 $0x11  }
0xef: {  	[hbm:s20@s5], [sflag:s12] =	dma.strided [hbm:s14@s5], $0x80, s4, $0x10   }
0xf0: {  	s13 =	sld [smem:$0x19];
	_ =	sdelay $0x3  }
0xf1: {  	s13 =	sadd.s32 $0x7FF, s13  }
0xf2: {  	s21 =	sshll.u32 s13, $0xA;
	s13 =	sshll.u32 s13, $0x7  }
0xf3: {  	s14 =	sand.u32 $0x1FE000, s21;
	s13 =	sand.u32 $0x380, s13  }
0xf4: {  	s13 =	sor.u32 s13, s14  }
0xf5: {  	s13 =	sshrl.u32 s13, $0x3  }
0xf6: {  	s13 =	sadd.s32 s13, s1  }
0xf7: {  	s22 =	sadd.s32 $0x410, s2;
	s15 =	sadd.s32 $0x240000, s13;
	s13 =	simm.s32 $0x12  }
0xf8: {  	[hbm:s22@s5], [sflag:s13] =	dma.strided [hbm:s15@s5], $0x80, s4, $0x10   }
0xf9: {  	s14 =	sld [smem:$0x1A];
	_ =	sdelay $0x3  }
0xfa: {  	s14 =	sadd.s32 $0x7FF, s14  }
0xfb: {  	s23 =	sshll.u32 s14, $0xA;
	s14 =	sshll.u32 s14, $0x7  }
0xfc: {  	s15 =	sand.u32 $0x1FE000, s23;
	s14 =	sand.u32 $0x380, s14  }
0xfd: {  	s14 =	sor.u32 s14, s15  }
0xfe: {  	s14 =	sshrl.u32 s14, $0x3  }
0xff: {  	s14 =	sadd.s32 s14, s1  }
0x100: {  	s24 =	sadd.s32 $0x420, s2;
	s16 =	sadd.s32 $0x280000, s14;
	s14 =	simm.s32 $0x13  }
0x101: {  	[hbm:s24@s5], [sflag:s14] =	dma.strided [hbm:s16@s5], $0x80, s4, $0x10   }
0x102: {  	s15 =	sld [smem:$0x1B];
	_ =	sdelay $0x3  }
0x103: {  	s15 =	sadd.s32 $0x7FF, s15  }
0x104: {  	s25 =	sshll.u32 s15, $0xA;
	s15 =	sshll.u32 s15, $0x7  }
0x105: {  	s16 =	sand.u32 $0x1FE000, s25;
	s15 =	sand.u32 $0x380, s15  }
0x106: {  	s15 =	sor.u32 s15, s16  }
0x107: {  	s15 =	sshrl.u32 s15, $0x3  }
0x108: {  	s15 =	sadd.s32 s15, s1  }
0x109: {  	s26 =	sadd.s32 $0x430, s2;
	s28 =	simm.s32 $0x14;
	s17 =	sadd.s32 $0x2C0000, s15  }
0x10a: {  	[hbm:s26@s5], [sflag:s28] =	dma.strided [hbm:s17@s5], $0x80, s4, $0x10   }
0x10b: {  	s16 =	sld [smem:$0x1C];
	_ =	sdelay $0x3  }
0x10c: {  	s16 =	sadd.s32 $0x7FF, s16  }
0x10d: {  	s29 =	sshll.u32 s16, $0xA;
	s16 =	sshll.u32 s16, $0x7  }
0x10e: {  	s17 =	sand.u32 $0x1FE000, s29;
	s16 =	sand.u32 $0x380, s16  }
0x10f: {  	s16 =	sor.u32 s16, s17  }
0x110: {  	s16 =	sshrl.u32 s16, $0x3  }
0x111: {  	s16 =	sadd.s32 s16, s1  }
0x112: {  	s30 =	sadd.s32 $0x440, s2;
	s31 =	simm.s32 $0x15;
	s18 =	sadd.s32 $0x300000, s16  }
0x113: {  	[hbm:s30@s5], [sflag:s31] =	dma.strided [hbm:s18@s5], $0x80, s4, $0x10   }
0x114: {  	s17 =	sld [smem:$0x1D];
	_ =	sdelay $0x3  }
0x115: {  	s17 =	sadd.s32 $0x7FF, s17  }
0x116: {  	s20 =	sshll.u32 s17, $0xA;
	s17 =	sshll.u32 s17, $0x7  }
0x117: {  	s18 =	sand.u32 $0x1FE000, s20;
	s17 =	sand.u32 $0x380, s17  }
0x118: {  	s17 =	sor.u32 s17, s18  }
0x119: {  	s17 =	sshrl.u32 s17, $0x3  }
0x11a: {  	s17 =	sadd.s32 s17, s1  }
0x11b: {  	s21 =	sadd.s32 $0x450, s2;
	s22 =	simm.s32 $0x16;
	s19 =	sadd.s32 $0x340000, s17  }
0x11c: {  	[hbm:s21@s5], [sflag:s22] =	dma.strided [hbm:s19@s5], $0x80, s4, $0x10   }
0x11d: {  	s18 =	sld [smem:$0x1E];
	_ =	sdelay $0x3  }
0x11e: {  	s18 =	sadd.s32 $0x7FF, s18  }
0x11f: {  	s23 =	sshll.u32 s18, $0xA;
	s18 =	sshll.u32 s18, $0x7  }
0x120: {  	s19 =	sand.u32 $0x1FE000, s23;
	s18 =	sand.u32 $0x380, s18  }
0x121: {  	s18 =	sor.u32 s18, s19  }
0x122: {  	s18 =	sshrl.u32 s18, $0x3  }
0x123: {  	s18 =	sadd.s32 s18, s1  }
0x124: {  	s24 =	sadd.s32 $0x460, s2;
	s20 =	simm.s32 $0x17;
	s18 =	sadd.s32 $0x380000, s18  }
0x125: {  	[hbm:s24@s5], [sflag:s20] =	dma.strided [hbm:s18@s5], $0x80, s4, $0x10   }
0x126: {  	s18 =	sld [smem:$0x1F];
	_ =	sdelay $0x3  }
0x127: {  	s18 =	sadd.s32 $0x7FF, s18  }
0x128: {  	s25 =	sshll.u32 s18, $0xA;
	s18 =	sshll.u32 s18, $0x7  }
0x129: {  	s19 =	sand.u32 $0x1FE000, s25;
	s18 =	sand.u32 $0x380, s18  }
0x12a: {  	s18 =	sor.u32 s18, s19  }
0x12b: {  	s18 =	sshrl.u32 s18, $0x3  }
0x12c: {  	s1 =	sadd.s32 s18, s1  }
0x12d: {  	s2 =	sadd.s32 $0x470, s2;
	s26 =	simm.s32 $0x18;
	s1 =	sadd.s32 $0x3C0000, s1  }
0x12e: {  	[hbm:s2@s5], [sflag:s26] =	dma.strided [hbm:s1@s5], $0x80, s4, $0x10   }
0x12f: {  	_ =	swait.ge [sflag:s3], $0x80  }
0x130: {  	[sflag:s3] =	ssyncset.done $0x0  }
0x131: {  	[sflag:s3] =	ssyncadd.s32 $0xFFFFFF80;
	_ =	sdelay $0x2  }
0x132: {  	_ =	swait.ge [sflag:s6], $0x80  }
0x133: {  	[sflag:s6] =	ssyncset.done $0x0  }
0x134: {  	[sflag:s6] =	ssyncadd.s32 $0xFFFFFF80;
	_ =	sdelay $0x2  }
0x135: {  	_ =	swait.ge [sflag:s7], $0x80  }
0x136: {  	[sflag:s7] =	ssyncset.done $0x0  }
0x137: {  	[sflag:s7] =	ssyncadd.s32 $0xFFFFFF80;
	_ =	sdelay $0x2  }
0x138: {  	_ =	swait.ge [sflag:s8], $0x80  }
0x139: {  	[sflag:s8] =	ssyncset.done $0x0  }
0x13a: {  	[sflag:s8] =	ssyncadd.s32 $0xFFFFFF80;
	_ =	sdelay $0x2  }
0x13b: {  	_ =	swait.ge [sflag:s9], $0x80  }
0x13c: {  	[sflag:s9] =	ssyncset.done $0x0  }
0x13d: {  	[sflag:s9] =	ssyncadd.s32 $0xFFFFFF80;
	_ =	sdelay $0x2  }
0x13e: {  	_ =	swait.ge [sflag:s10], $0x80  }
0x13f: {  	[sflag:s10] =	ssyncset.done $0x0  }
0x140: {  	[sflag:s10] =	ssyncadd.s32 $0xFFFFFF80;
	_ =	sdelay $0x2  }
0x141: {  	_ =	swait.ge [sflag:s11], $0x80  }
0x142: {  	[sflag:s11] =	ssyncset.done $0x0  }
0x143: {  	[sflag:s11] =	ssyncadd.s32 $0xFFFFFF80;
	_ =	sdelay $0x2  }
0x144: {  	_ =	swait.ge [sflag:s0], $0x80  }
0x145: {  	[sflag:s0] =	ssyncset.done $0x0  }
0x146: {  	[sflag:s0] =	ssyncadd.s32 $0xFFFFFF80;
	_ =	sdelay $0x2  }
0x147: {  	_ =	swait.ge [sflag:s12], $0x80  }
0x148: {  	[sflag:s12] =	ssyncset.done $0x0  }
0x149: {  	[sflag:s12] =	ssyncadd.s32 $0xFFFFFF80;
	_ =	sdelay $0x2  }
0x14a: {  	_ =	swait.ge [sflag:s13], $0x80  }
0x14b: {  	[sflag:s13] =	ssyncset.done $0x0  }
0x14c: {  	[sflag:s13] =	ssyncadd.s32 $0xFFFFFF80;
	_ =	sdelay $0x2  }
0x14d: {  	_ =	swait.ge [sflag:s14], $0x80  }
0x14e: {  	[sflag:s14] =	ssyncset.done $0x0  }
0x14f: {  	[sflag:s14] =	ssyncadd.s32 $0xFFFFFF80;
	_ =	sdelay $0x2  }
0x150: {  	_ =	swait.ge [sflag:s28], $0x80  }
0x151: {  	[sflag:s28] =	ssyncset.done $0x0  }
0x152: {  	[sflag:s28] =	ssyncadd.s32 $0xFFFFFF80;
	_ =	sdelay $0x2  }
0x153: {  	_ =	swait.ge [sflag:s31], $0x80  }
0x154: {  	[sflag:s31] =	ssyncset.done $0x0  }
0x155: {  	[sflag:s31] =	ssyncadd.s32 $0xFFFFFF80;
	_ =	sdelay $0x2  }
0x156: {  	_ =	swait.ge [sflag:s22], $0x80  }
0x157: {  	[sflag:s22] =	ssyncset.done $0x0  }
0x158: {  	[sflag:s22] =	ssyncadd.s32 $0xFFFFFF80;
	_ =	sdelay $0x2  }
0x159: {  	_ =	swait.ge [sflag:s20], $0x80  }
0x15a: {  	[sflag:s20] =	ssyncset.done $0x0  }
0x15b: {  	[sflag:s20] =	ssyncadd.s32 $0xFFFFFF80;
	_ =	sdelay $0x2  }
0x15c: {  	_ =	swait.ge [sflag:s26], $0x80  }
0x15d: {  	[sflag:s26] =	ssyncset.done $0x0  }
0x15e: {  	[sflag:s26] =	ssyncadd.s32 $0xFFFFFF80  }
0x15f: {  	_ =	strace $0x90000046  }
0x160: {  	_ =	sfence  }
0x161: {  	s28 =	sld [smem:$0x0];
	_ =	sdelay $0x1  }
0x162: {  	s29 =	srdreg.scid  }
0x163: {  	s30 =	sshll.u32 s29, $0xD;
	s31 =	sshrl.u32 s29, $0x2  }
0x164: {  	s1 =	sand.u32 $0x1, s29;
	s2 =	sand.u32 $0x4000, s30;
	s0 =	sadd.s32 s31, s28  }
0x165: {  	s1 =	sor.u32 s2, s1;
	s0 =	sshll.u32 s0, $0x11  }
0x166: {  	s0 =	sor.u32 s0, s1  }
0x167: {  	s0 =	sadd.s32 $0x8F2B, s0;
	(pc) =	sbr.abs _section_cstart, $3  }
0x168: {  	[sflag:s0] =	ssyncadd.remote.s32 $0x1  }
0x169: {  	_ =	strace $0x9FFFFFFF  }
0x16a: {  	(tm) =	ssettm $0x7FFFFFFF  }
0x16b: {  	_ =	shalt  }

</sc_bundles>
